<compile_context>
chip_gen: v7x
topology: tpu7x:2x2x1
jax: 0.10.2.dev20260603
libtpu: 0.0.44.dev20260713+nightly
codegen_flags: <defaults>
</compile_context>

<pallas_src>
import jax
import jax.numpy as jnp
from jax import lax
from jax.experimental import pallas as pl
from jax.experimental.pallas import tpu as pltpu
from jax.experimental.pallas import tpu_sc as plsc

N = 10000
NP = 10240
E = 160000
D = 256
DH = D // 2
DDEG = 128
NSUB = 16
NCORE = 2
CP = 125
EPS = E // NSUB
CH = EPS // CP
RPS = NP // NSUB
CPD = 40
CHD = E // NCORE // NSUB // CPD

_mesh = plsc.VectorSubcoreMesh(core_axis_name="c", subcore_axis_name="s")


def _prop_body(v_hbm, src_hbm, dst_hbm, out_hbm, acc, srcv, dstv, rows):
    cid = lax.axis_index("c")
    sid = lax.axis_index("s")
    r0 = sid * RPS
    pltpu.sync_copy(v_hbm.at[pl.ds(cid * NP + r0, RPS)], acc.at[pl.ds(r0, RPS)])
    pltpu.sync_copy(src_hbm.at[cid, sid], srcv)
    pltpu.sync_copy(dst_hbm.at[sid], dstv)
    plsc.subcore_barrier()

    @pl.loop(0, CH)
    def _(j):
        pltpu.sync_copy(v_hbm.at[srcv.at[j]], rows)
        pltpu.sync_copy(rows, acc.at[dstv.at[j]], add=True)

    plsc.subcore_barrier()
    pltpu.sync_copy(acc.at[pl.ds(r0, RPS)], out_hbm.at[cid, pl.ds(r0, RPS)])


def _prop_call(v, src_p, dst_p, dh):
    return pl.kernel(
        _prop_body,
        out_type=jax.ShapeDtypeStruct((NCORE, NP, dh), jnp.float32),
        mesh=_mesh,
        scratch_types=[
            pltpu.VMEM_SHARED((NP, dh), jnp.float32),
            pltpu.VMEM((CH, CP), jnp.int32),
            pltpu.VMEM((CH, CP), jnp.int32),
            pltpu.VMEM((CP, dh), jnp.float32),
        ],
    )(v, src_p, dst_p)


def _deg_body(ones_hbm, dst_hbm, out_hbm, acc, dstv, rows):
    cid = lax.axis_index("c")
    sid = lax.axis_index("s")
    r0 = sid * RPS
    pltpu.sync_copy(ones_hbm.at[pl.ds(r0, RPS)], acc.at[pl.ds(r0, RPS)])
    pltpu.sync_copy(ones_hbm.at[pl.ds(0, CPD)], rows)
    pltpu.sync_copy(dst_hbm.at[cid, sid], dstv)
    plsc.subcore_barrier()

    @pl.loop(0, CHD)
    def _(j):
        pltpu.sync_copy(rows, acc.at[dstv.at[j]], add=True)

    plsc.subcore_barrier()
    pltpu.sync_copy(acc.at[pl.ds(r0, RPS)], out_hbm.at[cid, pl.ds(r0, RPS)])


def _deg_call(ones_hbm, dst_d):
    return pl.kernel(
        _deg_body,
        out_type=jax.ShapeDtypeStruct((NCORE, NP, DDEG), jnp.float32),
        mesh=_mesh,
        scratch_types=[
            pltpu.VMEM_SHARED((NP, DDEG), jnp.float32),
            pltpu.VMEM((CHD, CPD), jnp.int32),
            pltpu.VMEM((CPD, DDEG), jnp.float32),
        ],
    )(ones_hbm, dst_d)


def _weff_body(wo_ref, wcat_ref, bcat_ref, bo_ref, weff_ref, beff_ref):
    weff_ref[...] = lax.dot_general(
        wo_ref[...], wcat_ref[...], (((1,), (0,)), ((), ())),
        preferred_element_type=jnp.float32)
    beff_ref[...] = bo_ref[...] + lax.dot_general(
        bcat_ref[...], wo_ref[...], (((1,), (1,)), ((), ())),
        preferred_element_type=jnp.float32)


def _scale1_body(degp_ref, x_ref, x0_ref):
    deg = jnp.maximum(degp_ref[0, :, 0] + degp_ref[1, :, 0] - 1.0, 1.0)
    x0_ref[0] = x_ref[...] * (1.0 / jnp.sqrt(deg))[:, None]


def _scale2_body(degp_ref, g_ref, gp_ref):
    deg = jnp.maximum(degp_ref[0, :, 0] + degp_ref[1, :, 0] - 1.0, 1.0)
    gp_ref[0] = g_ref[0] * (1.0 / deg)[:, None]


def _final_body(degp_ref, h_ref, weff_ref, beff_ref, out_ref):
    deg = jnp.maximum(degp_ref[0, :, 0] + degp_ref[1, :, 0] - 1.0, 1.0)
    z = jnp.concatenate([h_ref[0], h_ref[1]], axis=1) \
        * (1.0 / jnp.sqrt(deg))[:, None]
    logits = lax.dot_general(
        z, weff_ref[...], (((1,), (1,)), ((), ())),
        preferred_element_type=jnp.float32) + beff_ref[...]
    m = jnp.max(logits, axis=1, keepdims=True)
    lse = jnp.log(jnp.sum(jnp.exp(logits - m), axis=1, keepdims=True)) + m
    out_ref[...] = logits - lse


_RB = 1024
_RBF = 1000


def _tc_scale1(degp, x):
    return pl.pallas_call(
        _scale1_body,
        grid=(NCORE, NP // _RB),
        in_specs=[
            pl.BlockSpec((NCORE, _RB, DDEG), lambda h, i: (0, i, 0)),
            pl.BlockSpec((_RB, DH), lambda h, i: (i, h)),
        ],
        out_specs=pl.BlockSpec((1, _RB, DH), lambda h, i: (h, i, 0)),
        out_shape=jax.ShapeDtypeStruct((NCORE, NP, DH), jnp.float32),
    )(degp, x)


def _tc_scale2(degp, g):
    return pl.pallas_call(
        _scale2_body,
        grid=(NCORE, NP // _RB),
        in_specs=[
            pl.BlockSpec((NCORE, _RB, DDEG), lambda h, i: (0, i, 0)),
            pl.BlockSpec((1, _RB, DH), lambda h, i: (h, i, 0)),
        ],
        out_specs=pl.BlockSpec((1, _RB, DH), lambda h, i: (h, i, 0)),
        out_shape=jax.ShapeDtypeStruct((NCORE, NP, DH), jnp.float32),
    )(degp, g)


def _tc_weff(Wo, Wcat, bcat, bo):
    return pl.pallas_call(
        _weff_body,
        out_shape=(
            jax.ShapeDtypeStruct((D, D), jnp.float32),
            jax.ShapeDtypeStruct((1, D), jnp.float32),
        ),
    )(Wo, Wcat, bcat, bo)


def _tc_final(degp, h, weff, beff):
    return pl.pallas_call(
        _final_body,
        grid=(N // _RBF,),
        in_specs=[
            pl.BlockSpec((NCORE, _RBF, DDEG), lambda i: (0, i, 0)),
            pl.BlockSpec((NCORE, _RBF, DH), lambda i: (0, i, 0)),
            pl.BlockSpec((D, D), lambda i: (0, 0)),
            pl.BlockSpec((1, D), lambda i: (0, 0)),
        ],
        out_specs=pl.BlockSpec((_RBF, D), lambda i: (i, 0)),
        out_shape=jax.ShapeDtypeStruct((N, D), jnp.float32),
    )(degp, h, weff, beff)


def kernel(x, edge_index, W1, b1, W2, b2, W3, b3, W4, b4, Wo, bo):
    src = edge_index[0]
    dst = edge_index[1]
    src_p = src.reshape(NSUB, CH, CP)
    src2 = jnp.stack([src_p, src_p + NP])
    dst_p = dst.reshape(NSUB, CH, CP)
    dst_d = dst.reshape(NCORE, NSUB, CHD, CPD)
    Wcat = jnp.concatenate([W1, W2, W3, W4], axis=0)
    bcat = jnp.concatenate([b1, b2, b3, b4]).reshape(1, 4 * D)
    bo2 = bo.reshape(1, D)

    xp = jnp.pad(x, ((0, NP - N), (0, 0)))
    ones_hbm = jnp.ones((NP, DDEG), jnp.float32)
    degp = _deg_call(ones_hbm, dst_d)
    weff, beff = _tc_weff(Wo, Wcat, bcat, bo2)
    x0 = _tc_scale1(degp, xp).reshape(NCORE * NP, DH)
    g = _prop_call(x0, src2, dst_p, DH)
    gp = _tc_scale2(degp, g).reshape(NCORE * NP, DH)
    h = _prop_call(gp, src2, dst_p, DH)
    return _tc_final(degp, h, weff, beff)

# --- scband reference (transcript-rebuilt; emitter-appended) ---
"""Pipeline reference for scband-sign-17952963297698 (READ-ONLY COPY).

The authoritative reference and input builder live on the scoring server;
editing this copy changes nothing except your own understanding.
"""

import jax, jax.numpy as jnp
import numpy as np

N = 10000
E = 160000
D_IN = 256
D_OUT = 256
K = 2


def setup_inputs(seed: int = 0) -> dict:
    key = jax.random.key(seed)
    ks = jax.random.split(key, 13)
    x = jax.random.normal(ks[0], (N, D_IN), dtype=jnp.float32)
    edge_index = jax.random.randint(ks[1], (2, E), 0, N, dtype=jnp.int32)
    s_in = 1.0 / np.sqrt(D_IN)
    s_cat = 1.0 / np.sqrt(4 * D_OUT)
    inp = {"x": x, "edge_index": edge_index}
    for i in range(4):
        inp[f"W{i+1}"] = jax.random.normal(ks[2 + 2 * i], (D_OUT, D_IN), dtype=jnp.float32) * s_in
        inp[f"b{i+1}"] = jnp.zeros((D_OUT,), dtype=jnp.float32)
    inp["Wo"] = jax.random.normal(ks[10], (D_OUT, 4 * D_OUT), dtype=jnp.float32) * s_cat
    inp["bo"] = jnp.zeros((D_OUT,), dtype=jnp.float32)
    return inp


def _gcn_norm(edge_index, n):
    # add self-loops and compute symmetric GCN normalization
    loop = jnp.arange(n, dtype=edge_index.dtype)
    src = jnp.concatenate([edge_index[0], loop])
    dst = jnp.concatenate([edge_index[1], loop])
    deg = jnp.zeros((n,), dtype=jnp.float32).at[dst].add(1.0)
    deg_inv_sqrt = jnp.where(deg > 0, 1.0 / jnp.sqrt(jnp.maximum(deg, 1e-12)), 0.0)
    norm = deg_inv_sqrt[src] * deg_inv_sqrt[dst]
    return src, dst, norm


def _sgconv(x, src, dst, norm, W, b):
    h = x
    for _ in range(K):
        h = jnp.zeros_like(h).at[dst].add(norm[:, None] * h[src])
    return h @ W.T + b


def reference(x, edge_index, W1, b1, W2, b2, W3, b3, W4, b4, Wo, bo):
    src, dst, norm = _gcn_norm(edge_index, x.shape[0])
    Ws = [(W1, b1), (W2, b2), (W3, b3), (W4, b4)]
    outs = []
    for (W, b) in Ws:
        outs.append(_sgconv(x, src, dst, norm, W, b))
    x_out = jnp.concatenate(outs, axis=1)
    x_out = x_out @ Wo.T + bo
    return jax.nn.log_softmax(x_out, axis=-1)

if __name__ == "__main__":
    import jax
    _d = setup_inputs()
    print(jax.jit(kernel)(*tuple(_d.values())))

</pallas_src>

<mosaic_0001>
#map = affine_map<(d0, d1) -> (0, 0)>
#map1 = affine_map<(d0, d1) -> (0, 0, 0, 0)>
#map2 = affine_map<(d0, d1) -> (0, 0, 0)>
module attributes {stable_mosaic.version = 14 : i64} {
  func.func @_prop_body(%arg0: i32, %arg1: i32, %arg2: memref<20480x128xf32, #tpu.memory_space<hbm>>, %arg3: memref<2x16x80x125xi32, #tpu.memory_space<hbm>>, %arg4: memref<16x80x125xi32, #tpu.memory_space<hbm>>, %arg5: memref<2x10240x128xf32, #tpu.memory_space<hbm>>, %arg6: memref<10240x128xf32, #tpu.memory_space<vmem_shared>>, %arg7: memref<80x125xi32, #tpu.memory_space<vmem>>, %arg8: memref<80x125xi32, #tpu.memory_space<vmem>>, %arg9: memref<125x128xf32, #tpu.memory_space<vmem>>) attributes {dimension_semantics = [#tpu.dimension_semantics<core_parallel>, #tpu.dimension_semantics<subcore_parallel>], iteration_bounds = array<i64: 2, 16>, scalar_prefetch = 0 : i64, scratch_operands = 4 : i64, tpu.core_type = #tpu.core_type<sc_vector_subcore>, window_params = [{transform_indices = #map}, {transform_indices = #map1}, {transform_indices = #map2}, {transform_indices = #map2}]} {
    %mul3A = arith.constant 640 : i32
    %mul3A_0 = arith.muli %arg1, %mul3A : i32
    %mul3A_1 = arith.constant 10240 : i32
    %mul3A_2 = arith.muli %arg0, %mul3A_1 : i32
    %add3A = arith.addi %mul3A_2, %mul3A_0 : i32
    "tpu.region"() ({
      %run_scoped3A = tpu.sem_alloc : memref<!tpu.dma_semaphore, #tpu.memory_space<semaphore_mem>>
      %dma_start3A = arith.constant 0 : i32
      %dma_start3A_8 = tpu.memref_slice %arg6[%mul3A_0, %dma_start3A] : memref<10240x128xf32, #tpu.memory_space<vmem_shared>> -> memref<640x128xf32, #tpu.memory_space<vmem_shared>>
      %dma_start3A_9 = arith.constant 0 : i32
      %dma_start3A_10 = tpu.memref_slice %arg2[%add3A, %dma_start3A_9] : memref<20480x128xf32, #tpu.memory_space<hbm>> -> memref<640x128xf32, #tpu.memory_space<hbm>>
      tpu.enqueue_dma source(%dma_start3A_10 : memref<640x128xf32, #tpu.memory_space<hbm>>) target(%dma_start3A_8 : memref<640x128xf32, #tpu.memory_space<vmem_shared>>) target_semaphore(%run_scoped3A : memref<!tpu.dma_semaphore, #tpu.memory_space<semaphore_mem>>)
      %dma_wait3A = arith.constant 0 : i32
      %dma_wait3A_11 = tpu.memref_slice %arg6[%mul3A_0, %dma_wait3A] : memref<10240x128xf32, #tpu.memory_space<vmem_shared>> -> memref<640x128xf32, #tpu.memory_space<vmem_shared>>
      %dma_wait3A_12 = arith.constant 0 : i32
      %dma_wait3A_13 = tpu.memref_slice %arg2[%add3A, %dma_wait3A_12] : memref<20480x128xf32, #tpu.memory_space<hbm>> -> memref<640x128xf32, #tpu.memory_space<hbm>>
      tpu.wait_dma2 semaphore(%run_scoped3A : memref<!tpu.dma_semaphore, #tpu.memory_space<semaphore_mem>>) src(%dma_wait3A_13 : memref<640x128xf32, #tpu.memory_space<hbm>>) dst(%dma_wait3A_11 : memref<640x128xf32, #tpu.memory_space<vmem_shared>>)
      tpu.yield
    }) : () -> ()
    "tpu.region"() ({
      %run_scoped3A = tpu.sem_alloc : memref<!tpu.dma_semaphore, #tpu.memory_space<semaphore_mem>>
      %dma_start3A = arith.constant 0 : i32
      %dma_start3A_8 = arith.constant 0 : i32
      %dma_start3A_9 = tpu.memref_slice %arg3[%arg0, %arg1, %dma_start3A, %dma_start3A_8] : memref<2x16x80x125xi32, #tpu.memory_space<hbm>> -> memref<1x1x80x125xi32, #tpu.memory_space<hbm>>
      %dma_start3A_10 = tpu.memref_squeeze %dma_start3A_9 : memref<1x1x80x125xi32, #tpu.memory_space<hbm>> -> memref<80x125xi32, #tpu.memory_space<hbm>>
      %dma_start3A_11 = arith.constant 0 : i32
      %dma_start3A_12 = arith.constant 0 : i32
      %dma_start3A_13 = tpu.memref_slice %arg3[%arg0, %arg1, %dma_start3A_11, %dma_start3A_12] : memref<2x16x80x125xi32, #tpu.memory_space<hbm>> -> memref<1x1x80x125xi32, #tpu.memory_space<hbm>>
      %dma_start3A_14 = tpu.memref_squeeze %dma_start3A_13 : memref<1x1x80x125xi32, #tpu.memory_space<hbm>> -> memref<80x125xi32, #tpu.memory_space<hbm>>
      tpu.enqueue_dma source(%dma_start3A_14 : memref<80x125xi32, #tpu.memory_space<hbm>>) target(%arg7 : memref<80x125xi32, #tpu.memory_space<vmem>>) target_semaphore(%run_scoped3A : memref<!tpu.dma_semaphore, #tpu.memory_space<semaphore_mem>>)
      %dma_wait3A = arith.constant 0 : i32
      %dma_wait3A_15 = arith.constant 0 : i32
      %dma_wait3A_16 = tpu.memref_slice %arg3[%arg0, %arg1, %dma_wait3A, %dma_wait3A_15] : memref<2x16x80x125xi32, #tpu.memory_space<hbm>> -> memref<1x1x80x125xi32, #tpu.memory_space<hbm>>
      %dma_wait3A_17 = tpu.memref_squeeze %dma_wait3A_16 : memref<1x1x80x125xi32, #tpu.memory_space<hbm>> -> memref<80x125xi32, #tpu.memory_space<hbm>>
      %dma_wait3A_18 = arith.constant 0 : i32
      %dma_wait3A_19 = arith.constant 0 : i32
      %dma_wait3A_20 = tpu.memref_slice %arg3[%arg0, %arg1, %dma_wait3A_18, %dma_wait3A_19] : memref<2x16x80x125xi32, #tpu.memory_space<hbm>> -> memref<1x1x80x125xi32, #tpu.memory_space<hbm>>
      %dma_wait3A_21 = tpu.memref_squeeze %dma_wait3A_20 : memref<1x1x80x125xi32, #tpu.memory_space<hbm>> -> memref<80x125xi32, #tpu.memory_space<hbm>>
      tpu.wait_dma2 semaphore(%run_scoped3A : memref<!tpu.dma_semaphore, #tpu.memory_space<semaphore_mem>>) src(%dma_wait3A_21 : memref<80x125xi32, #tpu.memory_space<hbm>>) dst(%arg7 : memref<80x125xi32, #tpu.memory_space<vmem>>)
      tpu.yield
    }) : () -> ()
    "tpu.region"() ({
      %run_scoped3A = tpu.sem_alloc : memref<!tpu.dma_semaphore, #tpu.memory_space<semaphore_mem>>
      %dma_start3A = arith.constant 0 : i32
      %dma_start3A_8 = arith.constant 0 : i32
      %dma_start3A_9 = tpu.memref_slice %arg4[%arg1, %dma_start3A, %dma_start3A_8] : memref<16x80x125xi32, #tpu.memory_space<hbm>> -> memref<1x80x125xi32, #tpu.memory_space<hbm>>
      %dma_start3A_10 = tpu.memref_squeeze %dma_start3A_9 : memref<1x80x125xi32, #tpu.memory_space<hbm>> -> memref<80x125xi32, #tpu.memory_space<hbm>>
      %dma_start3A_11 = arith.constant 0 : i32
      %dma_start3A_12 = arith.constant 0 : i32
      %dma_start3A_13 = tpu.memref_slice %arg4[%arg1, %dma_start3A_11, %dma_start3A_12] : memref<16x80x125xi32, #tpu.memory_space<hbm>> -> memref<1x80x125xi32, #tpu.memory_space<hbm>>
      %dma_start3A_14 = tpu.memref_squeeze %dma_start3A_13 : memref<1x80x125xi32, #tpu.memory_space<hbm>> -> memref<80x125xi32, #tpu.memory_space<hbm>>
      tpu.enqueue_dma source(%dma_start3A_14 : memref<80x125xi32, #tpu.memory_space<hbm>>) target(%arg8 : memref<80x125xi32, #tpu.memory_space<vmem>>) target_semaphore(%run_scoped3A : memref<!tpu.dma_semaphore, #tpu.memory_space<semaphore_mem>>)
      %dma_wait3A = arith.constant 0 : i32
      %dma_wait3A_15 = arith.constant 0 : i32
      %dma_wait3A_16 = tpu.memref_slice %arg4[%arg1, %dma_wait3A, %dma_wait3A_15] : memref<16x80x125xi32, #tpu.memory_space<hbm>> -> memref<1x80x125xi32, #tpu.memory_space<hbm>>
      %dma_wait3A_17 = tpu.memref_squeeze %dma_wait3A_16 : memref<1x80x125xi32, #tpu.memory_space<hbm>> -> memref<80x125xi32, #tpu.memory_space<hbm>>
      %dma_wait3A_18 = arith.constant 0 : i32
      %dma_wait3A_19 = arith.constant 0 : i32
      %dma_wait3A_20 = tpu.memref_slice %arg4[%arg1, %dma_wait3A_18, %dma_wait3A_19] : memref<16x80x125xi32, #tpu.memory_space<hbm>> -> memref<1x80x125xi32, #tpu.memory_space<hbm>>
      %dma_wait3A_21 = tpu.memref_squeeze %dma_wait3A_20 : memref<1x80x125xi32, #tpu.memory_space<hbm>> -> memref<80x125xi32, #tpu.memory_space<hbm>>
      tpu.wait_dma2 semaphore(%run_scoped3A : memref<!tpu.dma_semaphore, #tpu.memory_space<semaphore_mem>>) src(%dma_wait3A_21 : memref<80x125xi32, #tpu.memory_space<hbm>>) dst(%arg8 : memref<80x125xi32, #tpu.memory_space<vmem>>)
      tpu.yield
    }) : () -> ()
    %barrier3A = arith.constant 0 : index
    tpu.barrier barrier_id(%barrier3A)
    %scan3A = arith.constant 0 : i32
    %scan3A_3 = arith.constant 80 : i32
    %scan3A_4 = arith.addi %scan3A, %scan3A_3 : i32
    %scan3A_5 = arith.constant 1 : i32
    scf.for %scan3A_8 = %scan3A to %scan3A_4 step %scan3A_5  : i32 {
      %mul3A_9 = arith.constant 1 : i32
      %mul3A_10 = arith.muli %scan3A_8, %mul3A_9 : i32
      %add3A_11 = arith.constant 0 : i32
      %add3A_12 = arith.addi %add3A_11, %mul3A_10 : i32
      "tpu.region"() ({
        %run_scoped3A = tpu.sem_alloc : memref<!tpu.dma_semaphore, #tpu.memory_space<semaphore_mem>>
        %dma_start3A = arith.constant 0 : i32
        %dma_start3A_13 = tpu.memref_slice %arg7[%add3A_12, %dma_start3A] : memref<80x125xi32, #tpu.memory_space<vmem>> -> memref<1x125xi32, #tpu.memory_space<vmem>>
        %dma_start3A_14 = tpu.memref_squeeze %dma_start3A_13 : memref<1x125xi32, #tpu.memory_space<vmem>> -> memref<125xi32, #tpu.memory_space<vmem>>
        %dma_start3A_15 = arith.constant 0 : i32
        %dma_start3A_16 = arith.constant 0 : i32
        %dma_start3A_17 = tpu.memref_slice %arg2[%dma_start3A_15, %dma_start3A_16] : memref<20480x128xf32, #tpu.memory_space<hbm>> -> memref<20480x128xf32, #tpu.memory_space<hbm>>
        tpu.enqueue_indirect_dma source(%dma_start3A_17 : memref<20480x128xf32, #tpu.memory_space<hbm>>) target(%arg9 : memref<125x128xf32, #tpu.memory_space<vmem>>) offsets(%dma_start3A_14 : memref<125xi32, #tpu.memory_space<vmem>>) semaphore(%run_scoped3A : memref<!tpu.dma_semaphore, #tpu.memory_space<semaphore_mem>>)
        %dma_wait3A = arith.constant 0 : i32
        %dma_wait3A_18 = tpu.memref_slice %arg7[%add3A_12, %dma_wait3A] : memref<80x125xi32, #tpu.memory_space<vmem>> -> memref<1x125xi32, #tpu.memory_space<vmem>>
        %dma_wait3A_19 = tpu.memref_squeeze %dma_wait3A_18 : memref<1x125xi32, #tpu.memory_space<vmem>> -> memref<125xi32, #tpu.memory_space<vmem>>
        %dma_wait3A_20 = arith.constant 0 : i32
        %dma_wait3A_21 = arith.constant 0 : i32
        %dma_wait3A_22 = tpu.memref_slice %arg2[%dma_wait3A_20, %dma_wait3A_21] : memref<20480x128xf32, #tpu.memory_space<hbm>> -> memref<20480x128xf32, #tpu.memory_space<hbm>>
        tpu.wait_indirect_dma semaphore(%run_scoped3A : memref<!tpu.dma_semaphore, #tpu.memory_space<semaphore_mem>>) src(%dma_wait3A_22 : memref<20480x128xf32, #tpu.memory_space<hbm>>) dst(%arg9 : memref<125x128xf32, #tpu.memory_space<vmem>>)
        tpu.yield
      }) : () -> ()
      "tpu.region"() ({
        %run_scoped3A = tpu.sem_alloc : memref<!tpu.dma_semaphore, #tpu.memory_space<semaphore_mem>>
        %dma_start3A = arith.constant 0 : i32
        %dma_start3A_13 = tpu.memref_slice %arg8[%add3A_12, %dma_start3A] : memref<80x125xi32, #tpu.memory_space<vmem>> -> memref<1x125xi32, #tpu.memory_space<vmem>>
        %dma_start3A_14 = tpu.memref_squeeze %dma_start3A_13 : memref<1x125xi32, #tpu.memory_space<vmem>> -> memref<125xi32, #tpu.memory_space<vmem>>
        %dma_start3A_15 = arith.constant 0 : i32
        %dma_start3A_16 = arith.constant 0 : i32
        %dma_start3A_17 = tpu.memref_slice %arg6[%dma_start3A_15, %dma_start3A_16] : memref<10240x128xf32, #tpu.memory_space<vmem_shared>> -> memref<10240x128xf32, #tpu.memory_space<vmem_shared>>
        tpu.enqueue_indirect_dma source(%arg9 : memref<125x128xf32, #tpu.memory_space<vmem>>) target(%dma_start3A_17 : memref<10240x128xf32, #tpu.memory_space<vmem_shared>>) offsets(%dma_start3A_14 : memref<125xi32, #tpu.memory_space<vmem>>) semaphore(%run_scoped3A : memref<!tpu.dma_semaphore, #tpu.memory_space<semaphore_mem>>) {add = true}
        %dma_wait3A = arith.constant 0 : i32
        %dma_wait3A_18 = tpu.memref_slice %arg8[%add3A_12, %dma_wait3A] : memref<80x125xi32, #tpu.memory_space<vmem>> -> memref<1x125xi32, #tpu.memory_space<vmem>>
        %dma_wait3A_19 = tpu.memref_squeeze %dma_wait3A_18 : memref<1x125xi32, #tpu.memory_space<vmem>> -> memref<125xi32, #tpu.memory_space<vmem>>
        %dma_wait3A_20 = arith.constant 0 : i32
        %dma_wait3A_21 = arith.constant 0 : i32
        %dma_wait3A_22 = tpu.memref_slice %arg6[%dma_wait3A_20, %dma_wait3A_21] : memref<10240x128xf32, #tpu.memory_space<vmem_shared>> -> memref<10240x128xf32, #tpu.memory_space<vmem_shared>>
        tpu.wait_indirect_dma semaphore(%run_scoped3A : memref<!tpu.dma_semaphore, #tpu.memory_space<semaphore_mem>>) src(%arg9 : memref<125x128xf32, #tpu.memory_space<vmem>>) dst(%dma_wait3A_22 : memref<10240x128xf32, #tpu.memory_space<vmem_shared>>)
        tpu.yield
      }) : () -> ()
    }
    %scan3A_6 = arith.constant 80 : i32
    %barrier3A_7 = arith.constant 0 : index
    tpu.barrier barrier_id(%barrier3A_7)
    "tpu.region"() ({
      %run_scoped3A = tpu.sem_alloc : memref<!tpu.dma_semaphore, #tpu.memory_space<semaphore_mem>>
      %dma_start3A = arith.constant 0 : i32
      %dma_start3A_8 = tpu.memref_slice %arg5[%arg0, %mul3A_0, %dma_start3A] : memref<2x10240x128xf32, #tpu.memory_space<hbm>> -> memref<1x640x128xf32, #tpu.memory_space<hbm>>
      %dma_start3A_9 = tpu.memref_squeeze %dma_start3A_8 : memref<1x640x128xf32, #tpu.memory_space<hbm>> -> memref<640x128xf32, #tpu.memory_space<hbm>>
      %dma_start3A_10 = arith.constant 0 : i32
      %dma_start3A_11 = tpu.memref_slice %arg6[%mul3A_0, %dma_start3A_10] : memref<10240x128xf32, #tpu.memory_space<vmem_shared>> -> memref<640x128xf32, #tpu.memory_space<vmem_shared>>
      tpu.enqueue_dma source(%dma_start3A_11 : memref<640x128xf32, #tpu.memory_space<vmem_shared>>) target(%dma_start3A_9 : memref<640x128xf32, #tpu.memory_space<hbm>>) target_semaphore(%run_scoped3A : memref<!tpu.dma_semaphore, #tpu.memory_space<semaphore_mem>>)
      %dma_wait3A = arith.constant 0 : i32
      %dma_wait3A_12 = tpu.memref_slice %arg5[%arg0, %mul3A_0, %dma_wait3A] : memref<2x10240x128xf32, #tpu.memory_space<hbm>> -> memref<1x640x128xf32, #tpu.memory_space<hbm>>
      %dma_wait3A_13 = tpu.memref_squeeze %dma_wait3A_12 : memref<1x640x128xf32, #tpu.memory_space<hbm>> -> memref<640x128xf32, #tpu.memory_space<hbm>>
      %dma_wait3A_14 = arith.constant 0 : i32
      %dma_wait3A_15 = tpu.memref_slice %arg6[%mul3A_0, %dma_wait3A_14] : memref<10240x128xf32, #tpu.memory_space<vmem_shared>> -> memref<640x128xf32, #tpu.memory_space<vmem_shared>>
      tpu.wait_dma2 semaphore(%run_scoped3A : memref<!tpu.dma_semaphore, #tpu.memory_space<semaphore_mem>>) src(%dma_wait3A_15 : memref<640x128xf32, #tpu.memory_space<vmem_shared>>) dst(%dma_wait3A_13 : memref<640x128xf32, #tpu.memory_space<hbm>>)
      tpu.yield
    }) : () -> ()
    return
  }
}

#map = affine_map<(d0, d1) -> (0, 0)>
#map1 = affine_map<(d0, d1) -> (0, 0, 0, 0)>
#map2 = affine_map<(d0, d1) -> (0, 0, 0)>
module attributes {stable_mosaic.version = 14 : i64} {
  func.func @_deg_body(%arg0: i32, %arg1: i32, %arg2: memref<10240x128xf32, #tpu.memory_space<hbm>>, %arg3: memref<2x16x125x40xi32, #tpu.memory_space<hbm>>, %arg4: memref<2x10240x128xf32, #tpu.memory_space<hbm>>, %arg5: memref<10240x128xf32, #tpu.memory_space<vmem_shared>>, %arg6: memref<125x40xi32, #tpu.memory_space<vmem>>, %arg7: memref<40x128xf32, #tpu.memory_space<vmem>>) attributes {dimension_semantics = [#tpu.dimension_semantics<core_parallel>, #tpu.dimension_semantics<subcore_parallel>], iteration_bounds = array<i64: 2, 16>, scalar_prefetch = 0 : i64, scratch_operands = 3 : i64, tpu.core_type = #tpu.core_type<sc_vector_subcore>, window_params = [{transform_indices = #map}, {transform_indices = #map1}, {transform_indices = #map2}]} {
    %mul3A = arith.constant 640 : i32
    %mul3A_0 = arith.muli %arg1, %mul3A : i32
    "tpu.region"() ({
      %run_scoped3A = tpu.sem_alloc : memref<!tpu.dma_semaphore, #tpu.memory_space<semaphore_mem>>
      %dma_start3A = arith.constant 0 : i32
      %dma_start3A_6 = tpu.memref_slice %arg5[%mul3A_0, %dma_start3A] : memref<10240x128xf32, #tpu.memory_space<vmem_shared>> -> memref<640x128xf32, #tpu.memory_space<vmem_shared>>
      %dma_start3A_7 = arith.constant 0 : i32
      %dma_start3A_8 = tpu.memref_slice %arg2[%mul3A_0, %dma_start3A_7] : memref<10240x128xf32, #tpu.memory_space<hbm>> -> memref<640x128xf32, #tpu.memory_space<hbm>>
      tpu.enqueue_dma source(%dma_start3A_8 : memref<640x128xf32, #tpu.memory_space<hbm>>) target(%dma_start3A_6 : memref<640x128xf32, #tpu.memory_space<vmem_shared>>) target_semaphore(%run_scoped3A : memref<!tpu.dma_semaphore, #tpu.memory_space<semaphore_mem>>)
      %dma_wait3A = arith.constant 0 : i32
      %dma_wait3A_9 = tpu.memref_slice %arg5[%mul3A_0, %dma_wait3A] : memref<10240x128xf32, #tpu.memory_space<vmem_shared>> -> memref<640x128xf32, #tpu.memory_space<vmem_shared>>
      %dma_wait3A_10 = arith.constant 0 : i32
      %dma_wait3A_11 = tpu.memref_slice %arg2[%mul3A_0, %dma_wait3A_10] : memref<10240x128xf32, #tpu.memory_space<hbm>> -> memref<640x128xf32, #tpu.memory_space<hbm>>
      tpu.wait_dma2 semaphore(%run_scoped3A : memref<!tpu.dma_semaphore, #tpu.memory_space<semaphore_mem>>) src(%dma_wait3A_11 : memref<640x128xf32, #tpu.memory_space<hbm>>) dst(%dma_wait3A_9 : memref<640x128xf32, #tpu.memory_space<vmem_shared>>)
      tpu.yield
    }) : () -> ()
    "tpu.region"() ({
      %run_scoped3A = tpu.sem_alloc : memref<!tpu.dma_semaphore, #tpu.memory_space<semaphore_mem>>
      %dma_start3A = arith.constant 0 : i32
      %dma_start3A_6 = arith.constant 0 : i32
      %dma_start3A_7 = tpu.memref_slice %arg2[%dma_start3A, %dma_start3A_6] : memref<10240x128xf32, #tpu.memory_space<hbm>> -> memref<40x128xf32, #tpu.memory_space<hbm>>
      %dma_start3A_8 = arith.constant 0 : i32
      %dma_start3A_9 = arith.constant 0 : i32
      %dma_start3A_10 = tpu.memref_slice %arg2[%dma_start3A_8, %dma_start3A_9] : memref<10240x128xf32, #tpu.memory_space<hbm>> -> memref<40x128xf32, #tpu.memory_space<hbm>>
      tpu.enqueue_dma source(%dma_start3A_10 : memref<40x128xf32, #tpu.memory_space<hbm>>) target(%arg7 : memref<40x128xf32, #tpu.memory_space<vmem>>) target_semaphore(%run_scoped3A : memref<!tpu.dma_semaphore, #tpu.memory_space<semaphore_mem>>)
      %dma_wait3A = arith.constant 0 : i32
      %dma_wait3A_11 = arith.constant 0 : i32
      %dma_wait3A_12 = tpu.memref_slice %arg2[%dma_wait3A, %dma_wait3A_11] : memref<10240x128xf32, #tpu.memory_space<hbm>> -> memref<40x128xf32, #tpu.memory_space<hbm>>
      %dma_wait3A_13 = arith.constant 0 : i32
      %dma_wait3A_14 = arith.constant 0 : i32
      %dma_wait3A_15 = tpu.memref_slice %arg2[%dma_wait3A_13, %dma_wait3A_14] : memref<10240x128xf32, #tpu.memory_space<hbm>> -> memref<40x128xf32, #tpu.memory_space<hbm>>
      tpu.wait_dma2 semaphore(%run_scoped3A : memref<!tpu.dma_semaphore, #tpu.memory_space<semaphore_mem>>) src(%dma_wait3A_15 : memref<40x128xf32, #tpu.memory_space<hbm>>) dst(%arg7 : memref<40x128xf32, #tpu.memory_space<vmem>>)
      tpu.yield
    }) : () -> ()
    "tpu.region"() ({
      %run_scoped3A = tpu.sem_alloc : memref<!tpu.dma_semaphore, #tpu.memory_space<semaphore_mem>>
      %dma_start3A = arith.constant 0 : i32
      %dma_start3A_6 = arith.constant 0 : i32
      %dma_start3A_7 = tpu.memref_slice %arg3[%arg0, %arg1, %dma_start3A, %dma_start3A_6] : memref<2x16x125x40xi32, #tpu.memory_space<hbm>> -> memref<1x1x125x40xi32, #tpu.memory_space<hbm>>
      %dma_start3A_8 = tpu.memref_squeeze %dma_start3A_7 : memref<1x1x125x40xi32, #tpu.memory_space<hbm>> -> memref<125x40xi32, #tpu.memory_space<hbm>>
      %dma_start3A_9 = arith.constant 0 : i32
      %dma_start3A_10 = arith.constant 0 : i32
      %dma_start3A_11 = tpu.memref_slice %arg3[%arg0, %arg1, %dma_start3A_9, %dma_start3A_10] : memref<2x16x125x40xi32, #tpu.memory_space<hbm>> -> memref<1x1x125x40xi32, #tpu.memory_space<hbm>>
      %dma_start3A_12 = tpu.memref_squeeze %dma_start3A_11 : memref<1x1x125x40xi32, #tpu.memory_space<hbm>> -> memref<125x40xi32, #tpu.memory_space<hbm>>
      tpu.enqueue_dma source(%dma_start3A_12 : memref<125x40xi32, #tpu.memory_space<hbm>>) target(%arg6 : memref<125x40xi32, #tpu.memory_space<vmem>>) target_semaphore(%run_scoped3A : memref<!tpu.dma_semaphore, #tpu.memory_space<semaphore_mem>>)
      %dma_wait3A = arith.constant 0 : i32
      %dma_wait3A_13 = arith.constant 0 : i32
      %dma_wait3A_14 = tpu.memref_slice %arg3[%arg0, %arg1, %dma_wait3A, %dma_wait3A_13] : memref<2x16x125x40xi32, #tpu.memory_space<hbm>> -> memref<1x1x125x40xi32, #tpu.memory_space<hbm>>
      %dma_wait3A_15 = tpu.memref_squeeze %dma_wait3A_14 : memref<1x1x125x40xi32, #tpu.memory_space<hbm>> -> memref<125x40xi32, #tpu.memory_space<hbm>>
      %dma_wait3A_16 = arith.constant 0 : i32
      %dma_wait3A_17 = arith.constant 0 : i32
      %dma_wait3A_18 = tpu.memref_slice %arg3[%arg0, %arg1, %dma_wait3A_16, %dma_wait3A_17] : memref<2x16x125x40xi32, #tpu.memory_space<hbm>> -> memref<1x1x125x40xi32, #tpu.memory_space<hbm>>
      %dma_wait3A_19 = tpu.memref_squeeze %dma_wait3A_18 : memref<1x1x125x40xi32, #tpu.memory_space<hbm>> -> memref<125x40xi32, #tpu.memory_space<hbm>>
      tpu.wait_dma2 semaphore(%run_scoped3A : memref<!tpu.dma_semaphore, #tpu.memory_space<semaphore_mem>>) src(%dma_wait3A_19 : memref<125x40xi32, #tpu.memory_space<hbm>>) dst(%arg6 : memref<125x40xi32, #tpu.memory_space<vmem>>)
      tpu.yield
    }) : () -> ()
    %barrier3A = arith.constant 0 : index
    tpu.barrier barrier_id(%barrier3A)
    %scan3A = arith.constant 0 : i32
    %scan3A_1 = arith.constant 125 : i32
    %scan3A_2 = arith.addi %scan3A, %scan3A_1 : i32
    %scan3A_3 = arith.constant 1 : i32
    scf.for %scan3A_6 = %scan3A to %scan3A_2 step %scan3A_3  : i32 {
      %mul3A_7 = arith.constant 1 : i32
      %mul3A_8 = arith.muli %scan3A_6, %mul3A_7 : i32
      %add3A = arith.constant 0 : i32
      %add3A_9 = arith.addi %add3A, %mul3A_8 : i32
      "tpu.region"() ({
        %run_scoped3A = tpu.sem_alloc : memref<!tpu.dma_semaphore, #tpu.memory_space<semaphore_mem>>
        %dma_start3A = arith.constant 0 : i32
        %dma_start3A_10 = tpu.memref_slice %arg6[%add3A_9, %dma_start3A] : memref<125x40xi32, #tpu.memory_space<vmem>> -> memref<1x40xi32, #tpu.memory_space<vmem>>
        %dma_start3A_11 = tpu.memref_squeeze %dma_start3A_10 : memref<1x40xi32, #tpu.memory_space<vmem>> -> memref<40xi32, #tpu.memory_space<vmem>>
        %dma_start3A_12 = arith.constant 0 : i32
        %dma_start3A_13 = arith.constant 0 : i32
        %dma_start3A_14 = tpu.memref_slice %arg5[%dma_start3A_12, %dma_start3A_13] : memref<10240x128xf32, #tpu.memory_space<vmem_shared>> -> memref<10240x128xf32, #tpu.memory_space<vmem_shared>>
        tpu.enqueue_indirect_dma source(%arg7 : memref<40x128xf32, #tpu.memory_space<vmem>>) target(%dma_start3A_14 : memref<10240x128xf32, #tpu.memory_space<vmem_shared>>) offsets(%dma_start3A_11 : memref<40xi32, #tpu.memory_space<vmem>>) semaphore(%run_scoped3A : memref<!tpu.dma_semaphore, #tpu.memory_space<semaphore_mem>>) {add = true}
        %dma_wait3A = arith.constant 0 : i32
        %dma_wait3A_15 = tpu.memref_slice %arg6[%add3A_9, %dma_wait3A] : memref<125x40xi32, #tpu.memory_space<vmem>> -> memref<1x40xi32, #tpu.memory_space<vmem>>
        %dma_wait3A_16 = tpu.memref_squeeze %dma_wait3A_15 : memref<1x40xi32, #tpu.memory_space<vmem>> -> memref<40xi32, #tpu.memory_space<vmem>>
        %dma_wait3A_17 = arith.constant 0 : i32
        %dma_wait3A_18 = arith.constant 0 : i32
        %dma_wait3A_19 = tpu.memref_slice %arg5[%dma_wait3A_17, %dma_wait3A_18] : memref<10240x128xf32, #tpu.memory_space<vmem_shared>> -> memref<10240x128xf32, #tpu.memory_space<vmem_shared>>
        tpu.wait_indirect_dma semaphore(%run_scoped3A : memref<!tpu.dma_semaphore, #tpu.memory_space<semaphore_mem>>) src(%arg7 : memref<40x128xf32, #tpu.memory_space<vmem>>) dst(%dma_wait3A_19 : memref<10240x128xf32, #tpu.memory_space<vmem_shared>>)
        tpu.yield
      }) : () -> ()
    }
    %scan3A_4 = arith.constant 125 : i32
    %barrier3A_5 = arith.constant 0 : index
    tpu.barrier barrier_id(%barrier3A_5)
    "tpu.region"() ({
      %run_scoped3A = tpu.sem_alloc : memref<!tpu.dma_semaphore, #tpu.memory_space<semaphore_mem>>
      %dma_start3A = arith.constant 0 : i32
      %dma_start3A_6 = tpu.memref_slice %arg4[%arg0, %mul3A_0, %dma_start3A] : memref<2x10240x128xf32, #tpu.memory_space<hbm>> -> memref<1x640x128xf32, #tpu.memory_space<hbm>>
      %dma_start3A_7 = tpu.memref_squeeze %dma_start3A_6 : memref<1x640x128xf32, #tpu.memory_space<hbm>> -> memref<640x128xf32, #tpu.memory_space<hbm>>
      %dma_start3A_8 = arith.constant 0 : i32
      %dma_start3A_9 = tpu.memref_slice %arg5[%mul3A_0, %dma_start3A_8] : memref<10240x128xf32, #tpu.memory_space<vmem_shared>> -> memref<640x128xf32, #tpu.memory_space<vmem_shared>>
      tpu.enqueue_dma source(%dma_start3A_9 : memref<640x128xf32, #tpu.memory_space<vmem_shared>>) target(%dma_start3A_7 : memref<640x128xf32, #tpu.memory_space<hbm>>) target_semaphore(%run_scoped3A : memref<!tpu.dma_semaphore, #tpu.memory_space<semaphore_mem>>)
      %dma_wait3A = arith.constant 0 : i32
      %dma_wait3A_10 = tpu.memref_slice %arg4[%arg0, %mul3A_0, %dma_wait3A] : memref<2x10240x128xf32, #tpu.memory_space<hbm>> -> memref<1x640x128xf32, #tpu.memory_space<hbm>>
      %dma_wait3A_11 = tpu.memref_squeeze %dma_wait3A_10 : memref<1x640x128xf32, #tpu.memory_space<hbm>> -> memref<640x128xf32, #tpu.memory_space<hbm>>
      %dma_wait3A_12 = arith.constant 0 : i32
      %dma_wait3A_13 = tpu.memref_slice %arg5[%mul3A_0, %dma_wait3A_12] : memref<10240x128xf32, #tpu.memory_space<vmem_shared>> -> memref<640x128xf32, #tpu.memory_space<vmem_shared>>
      tpu.wait_dma2 semaphore(%run_scoped3A : memref<!tpu.dma_semaphore, #tpu.memory_space<semaphore_mem>>) src(%dma_wait3A_13 : memref<640x128xf32, #tpu.memory_space<vmem_shared>>) dst(%dma_wait3A_11 : memref<640x128xf32, #tpu.memory_space<hbm>>)
      tpu.yield
    }) : () -> ()
    return
  }
}

#map = affine_map<(d0, d1) -> (0, 0)>
#map1 = affine_map<(d0, d1) -> (0, 0, 0, 0)>
#map2 = affine_map<(d0, d1) -> (0, 0, 0)>
module attributes {stable_mosaic.version = 14 : i64} {
  func.func @_prop_body(%arg0: i32, %arg1: i32, %arg2: memref<20480x128xf32, #tpu.memory_space<hbm>>, %arg3: memref<2x16x80x125xi32, #tpu.memory_space<hbm>>, %arg4: memref<16x80x125xi32, #tpu.memory_space<hbm>>, %arg5: memref<2x10240x128xf32, #tpu.memory_space<hbm>>, %arg6: memref<10240x128xf32, #tpu.memory_space<vmem_shared>>, %arg7: memref<80x125xi32, #tpu.memory_space<vmem>>, %arg8: memref<80x125xi32, #tpu.memory_space<vmem>>, %arg9: memref<125x128xf32, #tpu.memory_space<vmem>>) attributes {dimension_semantics = [#tpu.dimension_semantics<core_parallel>, #tpu.dimension_semantics<subcore_parallel>], iteration_bounds = array<i64: 2, 16>, scalar_prefetch = 0 : i64, scratch_operands = 4 : i64, tpu.core_type = #tpu.core_type<sc_vector_subcore>, window_params = [{transform_indices = #map}, {transform_indices = #map1}, {transform_indices = #map2}, {transform_indices = #map2}]} {
    %mul3A = arith.constant 640 : i32
    %mul3A_0 = arith.muli %arg1, %mul3A : i32
    %mul3A_1 = arith.constant 10240 : i32
    %mul3A_2 = arith.muli %arg0, %mul3A_1 : i32
    %add3A = arith.addi %mul3A_2, %mul3A_0 : i32
    "tpu.region"() ({
      %run_scoped3A = tpu.sem_alloc : memref<!tpu.dma_semaphore, #tpu.memory_space<semaphore_mem>>
      %dma_start3A = arith.constant 0 : i32
      %dma_start3A_8 = tpu.memref_slice %arg6[%mul3A_0, %dma_start3A] : memref<10240x128xf32, #tpu.memory_space<vmem_shared>> -> memref<640x128xf32, #tpu.memory_space<vmem_shared>>
      %dma_start3A_9 = arith.constant 0 : i32
      %dma_start3A_10 = tpu.memref_slice %arg2[%add3A, %dma_start3A_9] : memref<20480x128xf32, #tpu.memory_space<hbm>> -> memref<640x128xf32, #tpu.memory_space<hbm>>
      tpu.enqueue_dma source(%dma_start3A_10 : memref<640x128xf32, #tpu.memory_space<hbm>>) target(%dma_start3A_8 : memref<640x128xf32, #tpu.memory_space<vmem_shared>>) target_semaphore(%run_scoped3A : memref<!tpu.dma_semaphore, #tpu.memory_space<semaphore_mem>>)
      %dma_wait3A = arith.constant 0 : i32
      %dma_wait3A_11 = tpu.memref_slice %arg6[%mul3A_0, %dma_wait3A] : memref<10240x128xf32, #tpu.memory_space<vmem_shared>> -> memref<640x128xf32, #tpu.memory_space<vmem_shared>>
      %dma_wait3A_12 = arith.constant 0 : i32
      %dma_wait3A_13 = tpu.memref_slice %arg2[%add3A, %dma_wait3A_12] : memref<20480x128xf32, #tpu.memory_space<hbm>> -> memref<640x128xf32, #tpu.memory_space<hbm>>
      tpu.wait_dma2 semaphore(%run_scoped3A : memref<!tpu.dma_semaphore, #tpu.memory_space<semaphore_mem>>) src(%dma_wait3A_13 : memref<640x128xf32, #tpu.memory_space<hbm>>) dst(%dma_wait3A_11 : memref<640x128xf32, #tpu.memory_space<vmem_shared>>)
      tpu.yield
    }) : () -> ()
    "tpu.region"() ({
      %run_scoped3A = tpu.sem_alloc : memref<!tpu.dma_semaphore, #tpu.memory_space<semaphore_mem>>
      %dma_start3A = arith.constant 0 : i32
      %dma_start3A_8 = arith.constant 0 : i32
      %dma_start3A_9 = tpu.memref_slice %arg3[%arg0, %arg1, %dma_start3A, %dma_start3A_8] : memref<2x16x80x125xi32, #tpu.memory_space<hbm>> -> memref<1x1x80x125xi32, #tpu.memory_space<hbm>>
      %dma_start3A_10 = tpu.memref_squeeze %dma_start3A_9 : memref<1x1x80x125xi32, #tpu.memory_space<hbm>> -> memref<80x125xi32, #tpu.memory_space<hbm>>
      %dma_start3A_11 = arith.constant 0 : i32
      %dma_start3A_12 = arith.constant 0 : i32
      %dma_start3A_13 = tpu.memref_slice %arg3[%arg0, %arg1, %dma_start3A_11, %dma_start3A_12] : memref<2x16x80x125xi32, #tpu.memory_space<hbm>> -> memref<1x1x80x125xi32, #tpu.memory_space<hbm>>
      %dma_start3A_14 = tpu.memref_squeeze %dma_start3A_13 : memref<1x1x80x125xi32, #tpu.memory_space<hbm>> -> memref<80x125xi32, #tpu.memory_space<hbm>>
      tpu.enqueue_dma source(%dma_start3A_14 : memref<80x125xi32, #tpu.memory_space<hbm>>) target(%arg7 : memref<80x125xi32, #tpu.memory_space<vmem>>) target_semaphore(%run_scoped3A : memref<!tpu.dma_semaphore, #tpu.memory_space<semaphore_mem>>)
      %dma_wait3A = arith.constant 0 : i32
      %dma_wait3A_15 = arith.constant 0 : i32
      %dma_wait3A_16 = tpu.memref_slice %arg3[%arg0, %arg1, %dma_wait3A, %dma_wait3A_15] : memref<2x16x80x125xi32, #tpu.memory_space<hbm>> -> memref<1x1x80x125xi32, #tpu.memory_space<hbm>>
      %dma_wait3A_17 = tpu.memref_squeeze %dma_wait3A_16 : memref<1x1x80x125xi32, #tpu.memory_space<hbm>> -> memref<80x125xi32, #tpu.memory_space<hbm>>
      %dma_wait3A_18 = arith.constant 0 : i32
      %dma_wait3A_19 = arith.constant 0 : i32
      %dma_wait3A_20 = tpu.memref_slice %arg3[%arg0, %arg1, %dma_wait3A_18, %dma_wait3A_19] : memref<2x16x80x125xi32, #tpu.memory_space<hbm>> -> memref<1x1x80x125xi32, #tpu.memory_space<hbm>>
      %dma_wait3A_21 = tpu.memref_squeeze %dma_wait3A_20 : memref<1x1x80x125xi32, #tpu.memory_space<hbm>> -> memref<80x125xi32, #tpu.memory_space<hbm>>
      tpu.wait_dma2 semaphore(%run_scoped3A : memref<!tpu.dma_semaphore, #tpu.memory_space<semaphore_mem>>) src(%dma_wait3A_21 : memref<80x125xi32, #tpu.memory_space<hbm>>) dst(%arg7 : memref<80x125xi32, #tpu.memory_space<vmem>>)
      tpu.yield
    }) : () -> ()
    "tpu.region"() ({
      %run_scoped3A = tpu.sem_alloc : memref<!tpu.dma_semaphore, #tpu.memory_space<semaphore_mem>>
      %dma_start3A = arith.constant 0 : i32
      %dma_start3A_8 = arith.constant 0 : i32
      %dma_start3A_9 = tpu.memref_slice %arg4[%arg1, %dma_start3A, %dma_start3A_8] : memref<16x80x125xi32, #tpu.memory_space<hbm>> -> memref<1x80x125xi32, #tpu.memory_space<hbm>>
      %dma_start3A_10 = tpu.memref_squeeze %dma_start3A_9 : memref<1x80x125xi32, #tpu.memory_space<hbm>> -> memref<80x125xi32, #tpu.memory_space<hbm>>
      %dma_start3A_11 = arith.constant 0 : i32
      %dma_start3A_12 = arith.constant 0 : i32
      %dma_start3A_13 = tpu.memref_slice %arg4[%arg1, %dma_start3A_11, %dma_start3A_12] : memref<16x80x125xi32, #tpu.memory_space<hbm>> -> memref<1x80x125xi32, #tpu.memory_space<hbm>>
      %dma_start3A_14 = tpu.memref_squeeze %dma_start3A_13 : memref<1x80x125xi32, #tpu.memory_space<hbm>> -> memref<80x125xi32, #tpu.memory_space<hbm>>
      tpu.enqueue_dma source(%dma_start3A_14 : memref<80x125xi32, #tpu.memory_space<hbm>>) target(%arg8 : memref<80x125xi32, #tpu.memory_space<vmem>>) target_semaphore(%run_scoped3A : memref<!tpu.dma_semaphore, #tpu.memory_space<semaphore_mem>>)
      %dma_wait3A = arith.constant 0 : i32
      %dma_wait3A_15 = arith.constant 0 : i32
      %dma_wait3A_16 = tpu.memref_slice %arg4[%arg1, %dma_wait3A, %dma_wait3A_15] : memref<16x80x125xi32, #tpu.memory_space<hbm>> -> memref<1x80x125xi32, #tpu.memory_space<hbm>>
      %dma_wait3A_17 = tpu.memref_squeeze %dma_wait3A_16 : memref<1x80x125xi32, #tpu.memory_space<hbm>> -> memref<80x125xi32, #tpu.memory_space<hbm>>
      %dma_wait3A_18 = arith.constant 0 : i32
      %dma_wait3A_19 = arith.constant 0 : i32
      %dma_wait3A_20 = tpu.memref_slice %arg4[%arg1, %dma_wait3A_18, %dma_wait3A_19] : memref<16x80x125xi32, #tpu.memory_space<hbm>> -> memref<1x80x125xi32, #tpu.memory_space<hbm>>
      %dma_wait3A_21 = tpu.memref_squeeze %dma_wait3A_20 : memref<1x80x125xi32, #tpu.memory_space<hbm>> -> memref<80x125xi32, #tpu.memory_space<hbm>>
      tpu.wait_dma2 semaphore(%run_scoped3A : memref<!tpu.dma_semaphore, #tpu.memory_space<semaphore_mem>>) src(%dma_wait3A_21 : memref<80x125xi32, #tpu.memory_space<hbm>>) dst(%arg8 : memref<80x125xi32, #tpu.memory_space<vmem>>)
      tpu.yield
    }) : () -> ()
    %barrier3A = arith.constant 0 : index
    tpu.barrier barrier_id(%barrier3A)
    %scan3A = arith.constant 0 : i32
    %scan3A_3 = arith.constant 80 : i32
    %scan3A_4 = arith.addi %scan3A, %scan3A_3 : i32
    %scan3A_5 = arith.constant 1 : i32
    scf.for %scan3A_8 = %scan3A to %scan3A_4 step %scan3A_5  : i32 {
      %mul3A_9 = arith.constant 1 : i32
      %mul3A_10 = arith.muli %scan3A_8, %mul3A_9 : i32
      %add3A_11 = arith.constant 0 : i32
      %add3A_12 = arith.addi %add3A_11, %mul3A_10 : i32
      "tpu.region"() ({
        %run_scoped3A = tpu.sem_alloc : memref<!tpu.dma_semaphore, #tpu.memory_space<semaphore_mem>>
        %dma_start3A = arith.constant 0 : i32
        %dma_start3A_13 = tpu.memref_slice %arg7[%add3A_12, %dma_start3A] : memref<80x125xi32, #tpu.memory_space<vmem>> -> memref<1x125xi32, #tpu.memory_space<vmem>>
        %dma_start3A_14 = tpu.memref_squeeze %dma_start3A_13 : memref<1x125xi32, #tpu.memory_space<vmem>> -> memref<125xi32, #tpu.memory_space<vmem>>
        %dma_start3A_15 = arith.constant 0 : i32
        %dma_start3A_16 = arith.constant 0 : i32
        %dma_start3A_17 = tpu.memref_slice %arg2[%dma_start3A_15, %dma_start3A_16] : memref<20480x128xf32, #tpu.memory_space<hbm>> -> memref<20480x128xf32, #tpu.memory_space<hbm>>
        tpu.enqueue_indirect_dma source(%dma_start3A_17 : memref<20480x128xf32, #tpu.memory_space<hbm>>) target(%arg9 : memref<125x128xf32, #tpu.memory_space<vmem>>) offsets(%dma_start3A_14 : memref<125xi32, #tpu.memory_space<vmem>>) semaphore(%run_scoped3A : memref<!tpu.dma_semaphore, #tpu.memory_space<semaphore_mem>>)
        %dma_wait3A = arith.constant 0 : i32
        %dma_wait3A_18 = tpu.memref_slice %arg7[%add3A_12, %dma_wait3A] : memref<80x125xi32, #tpu.memory_space<vmem>> -> memref<1x125xi32, #tpu.memory_space<vmem>>
        %dma_wait3A_19 = tpu.memref_squeeze %dma_wait3A_18 : memref<1x125xi32, #tpu.memory_space<vmem>> -> memref<125xi32, #tpu.memory_space<vmem>>
        %dma_wait3A_20 = arith.constant 0 : i32
        %dma_wait3A_21 = arith.constant 0 : i32
        %dma_wait3A_22 = tpu.memref_slice %arg2[%dma_wait3A_20, %dma_wait3A_21] : memref<20480x128xf32, #tpu.memory_space<hbm>> -> memref<20480x128xf32, #tpu.memory_space<hbm>>
        tpu.wait_indirect_dma semaphore(%run_scoped3A : memref<!tpu.dma_semaphore, #tpu.memory_space<semaphore_mem>>) src(%dma_wait3A_22 : memref<20480x128xf32, #tpu.memory_space<hbm>>) dst(%arg9 : memref<125x128xf32, #tpu.memory_space<vmem>>)
        tpu.yield
      }) : () -> ()
      "tpu.region"() ({
        %run_scoped3A = tpu.sem_alloc : memref<!tpu.dma_semaphore, #tpu.memory_space<semaphore_mem>>
        %dma_start3A = arith.constant 0 : i32
        %dma_start3A_13 = tpu.memref_slice %arg8[%add3A_12, %dma_start3A] : memref<80x125xi32, #tpu.memory_space<vmem>> -> memref<1x125xi32, #tpu.memory_space<vmem>>
        %dma_start3A_14 = tpu.memref_squeeze %dma_start3A_13 : memref<1x125xi32, #tpu.memory_space<vmem>> -> memref<125xi32, #tpu.memory_space<vmem>>
        %dma_start3A_15 = arith.constant 0 : i32
        %dma_start3A_16 = arith.constant 0 : i32
        %dma_start3A_17 = tpu.memref_slice %arg6[%dma_start3A_15, %dma_start3A_16] : memref<10240x128xf32, #tpu.memory_space<vmem_shared>> -> memref<10240x128xf32, #tpu.memory_space<vmem_shared>>
        tpu.enqueue_indirect_dma source(%arg9 : memref<125x128xf32, #tpu.memory_space<vmem>>) target(%dma_start3A_17 : memref<10240x128xf32, #tpu.memory_space<vmem_shared>>) offsets(%dma_start3A_14 : memref<125xi32, #tpu.memory_space<vmem>>) semaphore(%run_scoped3A : memref<!tpu.dma_semaphore, #tpu.memory_space<semaphore_mem>>) {add = true}
        %dma_wait3A = arith.constant 0 : i32
        %dma_wait3A_18 = tpu.memref_slice %arg8[%add3A_12, %dma_wait3A] : memref<80x125xi32, #tpu.memory_space<vmem>> -> memref<1x125xi32, #tpu.memory_space<vmem>>
        %dma_wait3A_19 = tpu.memref_squeeze %dma_wait3A_18 : memref<1x125xi32, #tpu.memory_space<vmem>> -> memref<125xi32, #tpu.memory_space<vmem>>
        %dma_wait3A_20 = arith.constant 0 : i32
        %dma_wait3A_21 = arith.constant 0 : i32
        %dma_wait3A_22 = tpu.memref_slice %arg6[%dma_wait3A_20, %dma_wait3A_21] : memref<10240x128xf32, #tpu.memory_space<vmem_shared>> -> memref<10240x128xf32, #tpu.memory_space<vmem_shared>>
        tpu.wait_indirect_dma semaphore(%run_scoped3A : memref<!tpu.dma_semaphore, #tpu.memory_space<semaphore_mem>>) src(%arg9 : memref<125x128xf32, #tpu.memory_space<vmem>>) dst(%dma_wait3A_22 : memref<10240x128xf32, #tpu.memory_space<vmem_shared>>)
        tpu.yield
      }) : () -> ()
    }
    %scan3A_6 = arith.constant 80 : i32
    %barrier3A_7 = arith.constant 0 : index
    tpu.barrier barrier_id(%barrier3A_7)
    "tpu.region"() ({
      %run_scoped3A = tpu.sem_alloc : memref<!tpu.dma_semaphore, #tpu.memory_space<semaphore_mem>>
      %dma_start3A = arith.constant 0 : i32
      %dma_start3A_8 = tpu.memref_slice %arg5[%arg0, %mul3A_0, %dma_start3A] : memref<2x10240x128xf32, #tpu.memory_space<hbm>> -> memref<1x640x128xf32, #tpu.memory_space<hbm>>
      %dma_start3A_9 = tpu.memref_squeeze %dma_start3A_8 : memref<1x640x128xf32, #tpu.memory_space<hbm>> -> memref<640x128xf32, #tpu.memory_space<hbm>>
      %dma_start3A_10 = arith.constant 0 : i32
      %dma_start3A_11 = tpu.memref_slice %arg6[%mul3A_0, %dma_start3A_10] : memref<10240x128xf32, #tpu.memory_space<vmem_shared>> -> memref<640x128xf32, #tpu.memory_space<vmem_shared>>
      tpu.enqueue_dma source(%dma_start3A_11 : memref<640x128xf32, #tpu.memory_space<vmem_shared>>) target(%dma_start3A_9 : memref<640x128xf32, #tpu.memory_space<hbm>>) target_semaphore(%run_scoped3A : memref<!tpu.dma_semaphore, #tpu.memory_space<semaphore_mem>>)
      %dma_wait3A = arith.constant 0 : i32
      %dma_wait3A_12 = tpu.memref_slice %arg5[%arg0, %mul3A_0, %dma_wait3A] : memref<2x10240x128xf32, #tpu.memory_space<hbm>> -> memref<1x640x128xf32, #tpu.memory_space<hbm>>
      %dma_wait3A_13 = tpu.memref_squeeze %dma_wait3A_12 : memref<1x640x128xf32, #tpu.memory_space<hbm>> -> memref<640x128xf32, #tpu.memory_space<hbm>>
      %dma_wait3A_14 = arith.constant 0 : i32
      %dma_wait3A_15 = tpu.memref_slice %arg6[%mul3A_0, %dma_wait3A_14] : memref<10240x128xf32, #tpu.memory_space<vmem_shared>> -> memref<640x128xf32, #tpu.memory_space<vmem_shared>>
      tpu.wait_dma2 semaphore(%run_scoped3A : memref<!tpu.dma_semaphore, #tpu.memory_space<semaphore_mem>>) src(%dma_wait3A_15 : memref<640x128xf32, #tpu.memory_space<vmem_shared>>) dst(%dma_wait3A_13 : memref<640x128xf32, #tpu.memory_space<hbm>>)
      tpu.yield
    }) : () -> ()
    return
  }
}

module attributes {stable_mosaic.version = 14 : i64} {
  func.func @_scale1_body(%arg0: i32, %arg1: i32, %arg2: memref<2x1024x128xf32, #tpu.memory_space<vmem>>, %arg3: memref<1024x128xf32, #tpu.memory_space<vmem>>, %arg4: memref<1x1024x128xf32, #tpu.memory_space<vmem>>) attributes {dimension_semantics = [#tpu.dimension_semantics<arbitrary>, #tpu.dimension_semantics<arbitrary>], iteration_bounds = array<i64: 2, 10>, scalar_prefetch = 0 : i64, scratch_operands = 0 : i64, tpu.core_type = #tpu.core_type<tc>, window_params = [{transform_indices = @transform_0, window_bounds = array<i64: 2, 1024, 128>}, {transform_indices = @transform_1, window_bounds = array<i64: 1024, 128>}, {transform_indices = @transform_2, window_bounds = array<i64: 1, 1024, 128>}]} {
    %get3A = arith.constant 0 : index
    %get3A_0 = arith.constant 0 : index
    %get3A_1 = arith.constant 0 : index
    %get3A_2 = vector.load %arg2[%get3A, %get3A_0, %get3A_1] : memref<2x1024x128xf32, #tpu.memory_space<vmem>>, vector<1x1024x1xf32>
    %get3A_3 = vector.shape_cast %get3A_2 : vector<1x1024x1xf32> to vector<1024xf32>
    %get3A_4 = arith.constant 1 : index
    %get3A_5 = arith.constant 0 : index
    %get3A_6 = arith.constant 0 : index
    %get3A_7 = vector.load %arg2[%get3A_4, %get3A_5, %get3A_6] : memref<2x1024x128xf32, #tpu.memory_space<vmem>>, vector<1x1024x1xf32>
    %get3A_8 = vector.shape_cast %get3A_7 : vector<1x1024x1xf32> to vector<1024xf32>
    %add3A = arith.addf %get3A_3, %get3A_8 : vector<1024xf32>
    %sub3A = arith.constant 1.000000e+00 : f32
    %sub3A_9 = vector.broadcast %sub3A : f32 to vector<1024xf32>
    %sub3A_10 = arith.subf %add3A, %sub3A_9 : vector<1024xf32>
    %max3A = arith.constant 1.000000e+00 : f32
    %max3A_11 = vector.broadcast %max3A : f32 to vector<1024xf32>
    %max3A_12 = arith.maximumf %sub3A_10, %max3A_11 : vector<1024xf32>
    %get3A_13 = arith.constant 0 : index
    %get3A_14 = arith.constant 0 : index
    %get3A_15 = vector.load %arg3[%get3A_13, %get3A_14] : memref<1024x128xf32, #tpu.memory_space<vmem>>, vector<1024x128xf32>
    %sqrt3A = math.sqrt %max3A_12 : vector<1024xf32>
    %div3A = arith.constant 1.000000e+00 : f32
    %div3A_16 = vector.broadcast %div3A : f32 to vector<1024xf32>
    %div3A_17 = arith.divf %div3A_16, %sqrt3A : vector<1024xf32>
    %broadcast_in_dim3A = vector.shape_cast %div3A_17 : vector<1024xf32> to vector<1024x1xf32>
    %mul3A = vector.broadcast %broadcast_in_dim3A : vector<1024x1xf32> to vector<1024x128xf32>
    %mul3A_18 = arith.mulf %get3A_15, %mul3A : vector<1024x128xf32>
    %swap3A = arith.constant 0 : index
    %swap3A_19 = arith.constant 0 : index
    %swap3A_20 = arith.constant 0 : index
    %swap3A_21 = vector.load %arg4[%swap3A, %swap3A_19, %swap3A_20] : memref<1x1024x128xf32, #tpu.memory_space<vmem>>, vector<1x1024x128xf32>
    %swap3A_22 = vector.shape_cast %swap3A_21 : vector<1x1024x128xf32> to vector<1024x128xf32>
    %swap3A_23 = vector.shape_cast %mul3A_18 : vector<1024x128xf32> to vector<1x1024x128xf32>
    tpu.vector_store %arg4[%swap3A, %swap3A_19, %swap3A_20], %swap3A_23 {strides = array<i32>} : memref<1x1024x128xf32, #tpu.memory_space<vmem>>, vector<1x1024x128xf32>,
    return
  }
  func.func @transform_0(%arg0: i32, %arg1: i32) -> (i32, i32, i32) {
    %c0_i32 = arith.constant 0 : i32
    %c0_i32_0 = arith.constant 0 : i32
    %c0_i32_1 = arith.constant 0 : i32
    return %c0_i32, %arg1, %c0_i32_0 : i32, i32, i32
  }
  func.func @transform_1(%arg0: i32, %arg1: i32) -> (i32, i32) {
    %c0_i32 = arith.constant 0 : i32
    return %arg1, %arg0 : i32, i32
  }
  func.func @transform_2(%arg0: i32, %arg1: i32) -> (i32, i32, i32) {
    %c0_i32 = arith.constant 0 : i32
    %c0_i32_0 = arith.constant 0 : i32
    return %arg0, %arg1, %c0_i32 : i32, i32, i32
  }
}

module attributes {stable_mosaic.version = 14 : i64} {
  func.func @_scale2_body(%arg0: i32, %arg1: i32, %arg2: memref<2x1024x128xf32, #tpu.memory_space<vmem>>, %arg3: memref<1x1024x128xf32, #tpu.memory_space<vmem>>, %arg4: memref<1x1024x128xf32, #tpu.memory_space<vmem>>) attributes {dimension_semantics = [#tpu.dimension_semantics<arbitrary>, #tpu.dimension_semantics<arbitrary>], iteration_bounds = array<i64: 2, 10>, scalar_prefetch = 0 : i64, scratch_operands = 0 : i64, tpu.core_type = #tpu.core_type<tc>, window_params = [{transform_indices = @transform_0, window_bounds = array<i64: 2, 1024, 128>}, {transform_indices = @transform_1, window_bounds = array<i64: 1, 1024, 128>}, {transform_indices = @transform_2, window_bounds = array<i64: 1, 1024, 128>}]} {
    %get3A = arith.constant 0 : index
    %get3A_0 = arith.constant 0 : index
    %get3A_1 = arith.constant 0 : index
    %get3A_2 = vector.load %arg2[%get3A, %get3A_0, %get3A_1] : memref<2x1024x128xf32, #tpu.memory_space<vmem>>, vector<1x1024x1xf32>
    %get3A_3 = vector.shape_cast %get3A_2 : vector<1x1024x1xf32> to vector<1024xf32>
    %get3A_4 = arith.constant 1 : index
    %get3A_5 = arith.constant 0 : index
    %get3A_6 = arith.constant 0 : index
    %get3A_7 = vector.load %arg2[%get3A_4, %get3A_5, %get3A_6] : memref<2x1024x128xf32, #tpu.memory_space<vmem>>, vector<1x1024x1xf32>
    %get3A_8 = vector.shape_cast %get3A_7 : vector<1x1024x1xf32> to vector<1024xf32>
    %add3A = arith.addf %get3A_3, %get3A_8 : vector<1024xf32>
    %sub3A = arith.constant 1.000000e+00 : f32
    %sub3A_9 = vector.broadcast %sub3A : f32 to vector<1024xf32>
    %sub3A_10 = arith.subf %add3A, %sub3A_9 : vector<1024xf32>
    %max3A = arith.constant 1.000000e+00 : f32
    %max3A_11 = vector.broadcast %max3A : f32 to vector<1024xf32>
    %max3A_12 = arith.maximumf %sub3A_10, %max3A_11 : vector<1024xf32>
    %get3A_13 = arith.constant 0 : index
    %get3A_14 = arith.constant 0 : index
    %get3A_15 = arith.constant 0 : index
    %get3A_16 = vector.load %arg3[%get3A_13, %get3A_14, %get3A_15] : memref<1x1024x128xf32, #tpu.memory_space<vmem>>, vector<1x1024x128xf32>
    %get3A_17 = vector.shape_cast %get3A_16 : vector<1x1024x128xf32> to vector<1024x128xf32>
    %div3A = arith.constant 1.000000e+00 : f32
    %div3A_18 = vector.broadcast %div3A : f32 to vector<1024xf32>
    %div3A_19 = arith.divf %div3A_18, %max3A_12 : vector<1024xf32>
    %broadcast_in_dim3A = vector.shape_cast %div3A_19 : vector<1024xf32> to vector<1024x1xf32>
    %mul3A = vector.broadcast %broadcast_in_dim3A : vector<1024x1xf32> to vector<1024x128xf32>
    %mul3A_20 = arith.mulf %get3A_17, %mul3A : vector<1024x128xf32>
    %swap3A = arith.constant 0 : index
    %swap3A_21 = arith.constant 0 : index
    %swap3A_22 = arith.constant 0 : index
    %swap3A_23 = vector.load %arg4[%swap3A, %swap3A_21, %swap3A_22] : memref<1x1024x128xf32, #tpu.memory_space<vmem>>, vector<1x1024x128xf32>
    %swap3A_24 = vector.shape_cast %swap3A_23 : vector<1x1024x128xf32> to vector<1024x128xf32>
    %swap3A_25 = vector.shape_cast %mul3A_20 : vector<1024x128xf32> to vector<1x1024x128xf32>
    tpu.vector_store %arg4[%swap3A, %swap3A_21, %swap3A_22], %swap3A_25 {strides = array<i32>} : memref<1x1024x128xf32, #tpu.memory_space<vmem>>, vector<1x1024x128xf32>,
    return
  }
  func.func @transform_0(%arg0: i32, %arg1: i32) -> (i32, i32, i32) {
    %c0_i32 = arith.constant 0 : i32
    %c0_i32_0 = arith.constant 0 : i32
    %c0_i32_1 = arith.constant 0 : i32
    return %c0_i32, %arg1, %c0_i32_0 : i32, i32, i32
  }
  func.func @transform_1(%arg0: i32, %arg1: i32) -> (i32, i32, i32) {
    %c0_i32 = arith.constant 0 : i32
    %c0_i32_0 = arith.constant 0 : i32
    return %arg0, %arg1, %c0_i32 : i32, i32, i32
  }
  func.func @transform_2(%arg0: i32, %arg1: i32) -> (i32, i32, i32) {
    %c0_i32 = arith.constant 0 : i32
    %c0_i32_0 = arith.constant 0 : i32
    return %arg0, %arg1, %c0_i32 : i32, i32, i32
  }
}

module attributes {stable_mosaic.version = 14 : i64} {
  func.func @_weff_body(%arg0: memref<256x1024xf32, #tpu.memory_space<vmem>>, %arg1: memref<1024x256xf32, #tpu.memory_space<vmem>>, %arg2: memref<1x1024xf32, #tpu.memory_space<vmem>>, %arg3: memref<1x256xf32, #tpu.memory_space<vmem>>, %arg4: memref<256x256xf32, #tpu.memory_space<vmem>>, %arg5: memref<1x256xf32, #tpu.memory_space<vmem>>) attributes {dimension_semantics = [], scalar_prefetch = 0 : i64, scratch_operands = 0 : i64, tpu.core_type = #tpu.core_type<tc>} {
    %get3A = arith.constant 0 : index
    %get3A_0 = arith.constant 0 : index
    %get3A_1 = vector.load %arg0[%get3A, %get3A_0] : memref<256x1024xf32, #tpu.memory_space<vmem>>, vector<256x1024xf32>
    %get3A_2 = arith.constant 0 : index
    %get3A_3 = arith.constant 0 : index
    %get3A_4 = vector.load %arg1[%get3A_2, %get3A_3] : memref<1024x256xf32, #tpu.memory_space<vmem>>, vector<1024x256xf32>
    %dot_general3A = arith.constant dense<0.000000e+00> : vector<256x256xf32>
    %dot_general3A_5 = tpu.matmul %get3A_1, %get3A_4, %dot_general3A {dimension_numbers = #tpu.dot_dimension_numbers<[1], [0], [0], [1], [0, 0, 1, 1], [], []>, transpose_lhs_hint = false} : vector<256x1024xf32>, vector<1024x256xf32>, vector<256x256xf32> -> vector<256x256xf32>
    %swap3A = arith.constant 0 : index
    %swap3A_6 = arith.constant 0 : index
    %swap3A_7 = vector.load %arg4[%swap3A, %swap3A_6] : memref<256x256xf32, #tpu.memory_space<vmem>>, vector<256x256xf32>
    tpu.vector_store %arg4[%swap3A, %swap3A_6], %dot_general3A_5 {strides = array<i32>} : memref<256x256xf32, #tpu.memory_space<vmem>>, vector<256x256xf32>,
    %get3A_8 = arith.constant 0 : index
    %get3A_9 = arith.constant 0 : index
    %get3A_10 = vector.load %arg3[%get3A_8, %get3A_9] : memref<1x256xf32, #tpu.memory_space<vmem>>, vector<1x256xf32>
    %get3A_11 = arith.constant 0 : index
    %get3A_12 = arith.constant 0 : index
    %get3A_13 = vector.load %arg2[%get3A_11, %get3A_12] : memref<1x1024xf32, #tpu.memory_space<vmem>>, vector<1x1024xf32>
    %get3A_14 = arith.constant 0 : index
    %get3A_15 = arith.constant 0 : index
    %get3A_16 = vector.load %arg0[%get3A_14, %get3A_15] : memref<256x1024xf32, #tpu.memory_space<vmem>>, vector<256x1024xf32>
    %dot_general3A_17 = arith.constant dense<0.000000e+00> : vector<1x256xf32>
    %dot_general3A_18 = tpu.matmul %get3A_13, %get3A_16, %dot_general3A_17 {dimension_numbers = #tpu.dot_dimension_numbers<[1], [1], [0], [0], [0, 0, 1, 0], [], []>, transpose_lhs_hint = false} : vector<1x1024xf32>, vector<256x1024xf32>, vector<1x256xf32> -> vector<1x256xf32>
    %add3A = arith.addf %get3A_10, %dot_general3A_18 : vector<1x256xf32>
    %swap3A_19 = arith.constant 0 : index
    %swap3A_20 = arith.constant 0 : index
    %swap3A_21 = vector.load %arg5[%swap3A_19, %swap3A_20] : memref<1x256xf32, #tpu.memory_space<vmem>>, vector<1x256xf32>
    tpu.vector_store %arg5[%swap3A_19, %swap3A_20], %add3A {strides = array<i32>} : memref<1x256xf32, #tpu.memory_space<vmem>>, vector<1x256xf32>,
    return
  }
}

module attributes {stable_mosaic.version = 14 : i64} {
  func.func @_final_body(%arg0: i32, %arg1: memref<2x1000x128xf32, #tpu.memory_space<vmem>>, %arg2: memref<2x1000x128xf32, #tpu.memory_space<vmem>>, %arg3: memref<256x256xf32, #tpu.memory_space<vmem>>, %arg4: memref<1x256xf32, #tpu.memory_space<vmem>>, %arg5: memref<1000x256xf32, #tpu.memory_space<vmem>>) attributes {dimension_semantics = [#tpu.dimension_semantics<arbitrary>], iteration_bounds = array<i64: 10>, scalar_prefetch = 0 : i64, scratch_operands = 0 : i64, tpu.core_type = #tpu.core_type<tc>, window_params = [{transform_indices = @transform_0, window_bounds = array<i64: 2, 1000, 128>}, {transform_indices = @transform_1, window_bounds = array<i64: 2, 1000, 128>}, {pipeline_mode = #tpu.pipeline_mode<synchronous>, transform_indices = @transform_2, window_bounds = array<i64: 256, 256>}, {pipeline_mode = #tpu.pipeline_mode<synchronous>, transform_indices = @transform_3, window_bounds = array<i64: 1, 256>}, {transform_indices = @transform_4, window_bounds = array<i64: 1000, 256>}]} {
    %get3A = arith.constant 0 : index
    %get3A_0 = arith.constant 0 : index
    %get3A_1 = arith.constant 0 : index
    %get3A_2 = vector.load %arg1[%get3A, %get3A_0, %get3A_1] : memref<2x1000x128xf32, #tpu.memory_space<vmem>>, vector<1x1000x1xf32>
    %get3A_3 = vector.shape_cast %get3A_2 : vector<1x1000x1xf32> to vector<1000xf32>
    %get3A_4 = arith.constant 1 : index
    %get3A_5 = arith.constant 0 : index
    %get3A_6 = arith.constant 0 : index
    %get3A_7 = vector.load %arg1[%get3A_4, %get3A_5, %get3A_6] : memref<2x1000x128xf32, #tpu.memory_space<vmem>>, vector<1x1000x1xf32>
    %get3A_8 = vector.shape_cast %get3A_7 : vector<1x1000x1xf32> to vector<1000xf32>
    %add3A = arith.addf %get3A_3, %get3A_8 : vector<1000xf32>
    %sub3A = arith.constant 1.000000e+00 : f32
    %sub3A_9 = vector.broadcast %sub3A : f32 to vector<1000xf32>
    %sub3A_10 = arith.subf %add3A, %sub3A_9 : vector<1000xf32>
    %max3A = arith.constant 1.000000e+00 : f32
    %max3A_11 = vector.broadcast %max3A : f32 to vector<1000xf32>
    %max3A_12 = arith.maximumf %sub3A_10, %max3A_11 : vector<1000xf32>
    %get3A_13 = arith.constant 0 : index
    %get3A_14 = arith.constant 0 : index
    %get3A_15 = arith.constant 0 : index
    %get3A_16 = vector.load %arg2[%get3A_13, %get3A_14, %get3A_15] : memref<2x1000x128xf32, #tpu.memory_space<vmem>>, vector<1x1000x128xf32>
    %get3A_17 = vector.shape_cast %get3A_16 : vector<1x1000x128xf32> to vector<1000x128xf32>
    %get3A_18 = arith.constant 1 : index
    %get3A_19 = arith.constant 0 : index
    %get3A_20 = arith.constant 0 : index
    %get3A_21 = vector.load %arg2[%get3A_18, %get3A_19, %get3A_20] : memref<2x1000x128xf32, #tpu.memory_space<vmem>>, vector<1x1000x128xf32>
    %get3A_22 = vector.shape_cast %get3A_21 : vector<1x1000x128xf32> to vector<1000x128xf32>
    %concatenate3A = tpu.concatenate %get3A_17, %get3A_22 in 1 : vector<1000x128xf32>, vector<1000x128xf32> -> vector<1000x256xf32>
    %sqrt3A = math.sqrt %max3A_12 : vector<1000xf32>
    %div3A = arith.constant 1.000000e+00 : f32
    %div3A_23 = vector.broadcast %div3A : f32 to vector<1000xf32>
    %div3A_24 = arith.divf %div3A_23, %sqrt3A : vector<1000xf32>
    %broadcast_in_dim3A = vector.shape_cast %div3A_24 : vector<1000xf32> to vector<1000x1xf32>
    %mul3A = vector.broadcast %broadcast_in_dim3A : vector<1000x1xf32> to vector<1000x256xf32>
    %mul3A_25 = arith.mulf %concatenate3A, %mul3A : vector<1000x256xf32>
    %get3A_26 = arith.constant 0 : index
    %get3A_27 = arith.constant 0 : index
    %get3A_28 = vector.load %arg3[%get3A_26, %get3A_27] : memref<256x256xf32, #tpu.memory_space<vmem>>, vector<256x256xf32>
    %dot_general3A = arith.constant dense<0.000000e+00> : vector<1000x256xf32>
    %dot_general3A_29 = tpu.matmul %mul3A_25, %get3A_28, %dot_general3A {dimension_numbers = #tpu.dot_dimension_numbers<[1], [1], [0], [0], [0, 0, 1, 0], [], []>, transpose_lhs_hint = false} : vector<1000x256xf32>, vector<256x256xf32>, vector<1000x256xf32> -> vector<1000x256xf32>
    %get3A_30 = arith.constant 0 : index
    %get3A_31 = arith.constant 0 : index
    %get3A_32 = vector.load %arg4[%get3A_30, %get3A_31] : memref<1x256xf32, #tpu.memory_space<vmem>>, vector<1x256xf32>
    %add3A_33 = vector.broadcast %get3A_32 : vector<1x256xf32> to vector<1000x256xf32>
    %add3A_34 = arith.addf %dot_general3A_29, %add3A_33 : vector<1000x256xf32>
    %reduce_max3A = arith.constant dense<0xFF800000> : vector<1000xf32>
    %reduce_max3A_35 = vector.multi_reduction <maximumf>, %add3A_34, %reduce_max3A [1] : vector<1000x256xf32> to vector<1000xf32>
    %broadcast_in_dim3A_36 = vector.shape_cast %reduce_max3A_35 : vector<1000xf32> to vector<1000x1xf32>
    %sub3A_37 = vector.broadcast %broadcast_in_dim3A_36 : vector<1000x1xf32> to vector<1000x256xf32>
    %sub3A_38 = arith.subf %add3A_34, %sub3A_37 : vector<1000x256xf32>
    %exp3A = math.exp %sub3A_38 : vector<1000x256xf32>
    %reduce_sum3A = arith.constant dense<0.000000e+00> : vector<1000xf32>
    %reduce_sum3A_39 = vector.multi_reduction <add>, %exp3A, %reduce_sum3A [1] : vector<1000x256xf32> to vector<1000xf32>
    %broadcast_in_dim3A_40 = vector.shape_cast %reduce_sum3A_39 : vector<1000xf32> to vector<1000x1xf32>
    %log3A = math.log %broadcast_in_dim3A_40 : vector<1000x1xf32>
    %add3A_41 = arith.addf %log3A, %broadcast_in_dim3A_36 : vector<1000x1xf32>
    %sub3A_42 = vector.broadcast %add3A_41 : vector<1000x1xf32> to vector<1000x256xf32>
    %sub3A_43 = arith.subf %add3A_34, %sub3A_42 : vector<1000x256xf32>
    %swap3A = arith.constant 0 : index
    %swap3A_44 = arith.constant 0 : index
    %swap3A_45 = vector.load %arg5[%swap3A, %swap3A_44] : memref<1000x256xf32, #tpu.memory_space<vmem>>, vector<1000x256xf32>
    tpu.vector_store %arg5[%swap3A, %swap3A_44], %sub3A_43 {strides = array<i32>} : memref<1000x256xf32, #tpu.memory_space<vmem>>, vector<1000x256xf32>,
    return
  }
  func.func @transform_0(%arg0: i32) -> (i32, i32, i32) {
    %c0_i32 = arith.constant 0 : i32
    %c0_i32_0 = arith.constant 0 : i32
    %c0_i32_1 = arith.constant 0 : i32
    return %c0_i32, %arg0, %c0_i32_0 : i32, i32, i32
  }
  func.func @transform_1(%arg0: i32) -> (i32, i32, i32) {
    %c0_i32 = arith.constant 0 : i32
    %c0_i32_0 = arith.constant 0 : i32
    %c0_i32_1 = arith.constant 0 : i32
    return %c0_i32, %arg0, %c0_i32_0 : i32, i32, i32
  }
  func.func @transform_2(%arg0: i32) -> (i32, i32) {
    %c0_i32 = arith.constant 0 : i32
    %c0_i32_0 = arith.constant 0 : i32
    %c0_i32_1 = arith.constant 0 : i32
    return %c0_i32, %c0_i32_0 : i32, i32
  }
  func.func @transform_3(%arg0: i32) -> (i32, i32) {
    %c0_i32 = arith.constant 0 : i32
    %c0_i32_0 = arith.constant 0 : i32
    %c0_i32_1 = arith.constant 0 : i32
    return %c0_i32, %c0_i32_0 : i32, i32
  }
  func.func @transform_4(%arg0: i32) -> (i32, i32) {
    %c0_i32 = arith.constant 0 : i32
    %c0_i32_0 = arith.constant 0 : i32
    return %arg0, %c0_i32 : i32, i32
  }
}

</mosaic_0001>

<sc_bundles>
// kernel: kernel.12.cloned.1.call-start
scs
__scs_entry_jumppad:
0x0: {  	(pc) =	sbr.rel $0x88, $3  }
0x1: {  	(tag) =	ssettag $0x0;
	lr =	simm.s32 $0x1  }
0x2: {  	[smem:$0x3F95] =	sst lr;
	_ =	strace $0xD0000000  }
0x3: {  	_ = 	snop  }
0x4: {  	_ = 	snop  }
0x5: {  	_ = 	snop  }
0x6: {  	_ = 	snop  }
0x7: {  	_ = 	snop  }
__scs_overlays_trampoline_lowered:
0x8: {  	[smem:$0x3FA4] =	sst s0  }
0x9: {  	[smem:$0x3FA5] =	sst s1  }
0xa: {  	[smem:$0x3FA6] =	sst s2  }
0xb: {  	[smem:$0x3FA7] =	sst s3  }
0xc: {  	[smem:$0x3FA8] =	sst s4  }
0xd: {  	[smem:$0x3FA9] =	sst s5  }
0xe: {  	[smem:$0x3FAA] =	sst s6  }
0xf: {  	[smem:$0x3FAB] =	sst s7  }
0x10: {  	[smem:$0x3FAC] =	sst s8  }
0x11: {  	[smem:$0x3FAD] =	sst s9;
	s0 =	simm.s32 @!p0 $0x0  }
0x12: {  	s1 =	sld [smem:$0x3F93];
	s0 =	simm.s32 @p0 $0x1  }
0x13: {  	[smem:$0x3FAE] =	sst s0;
	s0 =	simm.s32 @!p1 $0x0  }
0x14: {  	s2 =	sld [smem:$0x3F92];
	s0 =	simm.s32 @p1 $0x1  }
0x15: {  	[smem:$0x3FAF] =	sst s0;
	s0 =	simm.s32 @!p2 $0x0  }
0x16: {  	s3 =	sld [smem:$0x3FDB];
	s0 =	simm.s32 @p2 $0x1  }
0x17: {  	s4 =	simm.s32 $0x1BF5;
	[smem:$0x3FB1] =	sst s0  }
0x18: {  	s0 =	sld [smem:$0x3F94];
	_ =	swait.ge [sflag:s4], $0x0  }
0x19: {  	s7 =	sld [smem:$0x3F95]  }
0x1a: {  	s8 =	sadd.s32 $0xFFFFE003, lr  }
0x1b: {  	s9 =	sadd.s32 $0xFFFFFEF7, lr;
	s5 =	simm.s32 $0xFFFFFFFF;
	p2 =	slt.u32 s8, $0xFFFFF086  }
0x1c: {  	p1 =	slt.u32 s9, $0xF7A;
	s5 =	simm.s32 @!p2 $0x0  }
0x1d: {  	s5 =	simm.s32 @p1 $0x1;
	p0 =	seq.s32 s7, s2  }
0x1e: {  	s7 =	smul.u32 @!p0 $0xF7A, s2;
	p2 =	seq.s32 @!p0 s5, $0x0  }
0x1f: {  	s9 =	smul.u32 $0xF7A, s1;
	s8 =	simm.s32 @!p0 $0x1BF5;
	p2 =	por !p2, p0  }
0x20: {  	[sflag:s8] =	ssyncset.s32 @!p0 $0xFFFFF086;
	s6 =	sadd.s32 @!p0 s3, s7;
	s7 =	simm.s32 @!p0 $0x108  }
0x21: {  	s3 =	sadd.s32 s3, s9;
	s6 =	sadd.s32 @!p0 $0x88, s6;
	s7 =	simm.s32 @p2 $0x1082  }
0x22: {  	[simem:s7], [sflag:s8] =	dma.local @!p0 [hbm:s6], $0xF7A  }
0x23: {  	s9 =	sor.u32 $0xD0000000, s2;
	s6 =	simm.s32 $0x108;
	_ =	swait.ge @!p0 [sflag:s8], $0x0  }
0x24: {  	s3 =	sadd.s32 $0x88, s3;
	s6 =	simm.s32 @!p1 $0x1082;
	[sflag:s4] =	ssyncset.s32 $0xFFFFF086  }
0x25: {  	[simem:s6], [sflag:s4] =	dma.local [hbm:s3], $0xF7A  }
0x26: {  	[smem:$0x3F95] =	sst s1;
	(tag) =	ssettag s2;
	_ =	strace s9  }
0x27: {  	s1 =	sld [smem:$0x3FA5]  }
0x28: {  	s2 =	sld [smem:$0x3FA6]  }
0x29: {  	s4 =	sld [smem:$0x3FA8]  }
0x2a: {  	p0 =	seq.s32 s5, $0x0;
	s5 =	sld [smem:$0x3FA9]  }
0x2b: {  	s6 =	sld [smem:$0x3FAA]  }
0x2c: {  	s7 =	sld [smem:$0x3FAB]  }
0x2d: {  	s3 =	simm.s32 $0x108;
	s8 =	sld [smem:$0x3FAC]  }
0x2e: {  	s3 =	simm.s32 @!p0 $0x1082;
	s9 =	sld [smem:$0x3FAD]  }
0x2f: {  	lr =	sadd.s32 s0, s3;
	s0 =	sld [smem:$0x3FA4]  }
0x30: {  	s3 =	sld [smem:$0x3FA7]  }
0x31: {  	[smem:$0x3FB0] =	sst s10  }
0x32: {  	s10 =	sld [smem:$0x3FAE];
	_ =	sdelay $0x3  }
0x33: {  	p0 =	seq.s32 s10, $0x1;
	s10 =	sld [smem:$0x3FB0];
	_ =	sdelay $0x3  }
0x34: {  	[smem:$0x3FB0] =	sst s10  }
0x35: {  	s10 =	sld [smem:$0x3FAF];
	_ =	sdelay $0x3  }
0x36: {  	p1 =	seq.s32 s10, $0x1;
	s10 =	sld [smem:$0x3FB0];
	_ =	sdelay $0x3  }
0x37: {  	[smem:$0x3FB0] =	sst s10  }
0x38: {  	s10 =	sld [smem:$0x3FB1]  }
0x39: {  	_ = 	snop;
	(pc) =	sbr.ind lr, $3  }
0x3a: {  	_ = 	snop  }
0x3b: {  	_ = 	snop  }
0x3c: {  	p2 =	seq.s32 s10, $0x1;
	s10 =	sld [smem:$0x3FB0]  }
0x3d: {  	_ =	shalt  }
0x3e: {  	_ =	shalt  }
0x3f: {  	_ =	shalt  }
0x40: {  	_ =	shalt  }
0x41: {  	_ =	shalt  }
0x42: {  	_ =	shalt  }
0x43: {  	_ =	shalt  }
0x44: {  	_ =	shalt  }
0x45: {  	_ =	shalt  }
0x46: {  	_ =	shalt  }
0x47: {  	_ =	shalt  }
0x48: {  	_ =	shalt  }
0x49: {  	_ =	shalt  }
0x4a: {  	_ =	shalt  }
0x4b: {  	_ =	shalt  }
0x4c: {  	_ =	shalt  }
0x4d: {  	_ =	shalt  }
0x4e: {  	_ =	shalt  }
0x4f: {  	_ =	shalt  }
0x50: {  	_ =	shalt  }
0x51: {  	_ =	shalt  }
0x52: {  	_ =	shalt  }
0x53: {  	_ =	shalt  }
0x54: {  	_ =	shalt  }
0x55: {  	_ =	shalt  }
0x56: {  	_ =	shalt  }
0x57: {  	_ =	shalt  }
0x58: {  	_ =	shalt  }
0x59: {  	_ =	shalt  }
0x5a: {  	_ =	shalt  }
0x5b: {  	_ =	shalt  }
0x5c: {  	_ =	shalt  }
0x5d: {  	_ =	shalt  }
0x5e: {  	_ =	shalt  }
0x5f: {  	_ =	shalt  }
0x60: {  	_ =	shalt  }
0x61: {  	_ =	shalt  }
0x62: {  	_ =	shalt  }
0x63: {  	_ =	shalt  }
0x64: {  	_ =	shalt  }
0x65: {  	_ =	shalt  }
0x66: {  	_ =	shalt  }
0x67: {  	_ =	shalt  }
0x68: {  	_ =	shalt  }
0x69: {  	_ =	shalt  }
0x6a: {  	_ =	shalt  }
0x6b: {  	_ =	shalt  }
0x6c: {  	_ =	shalt  }
0x6d: {  	_ =	shalt  }
0x6e: {  	_ =	shalt  }
0x6f: {  	_ =	shalt  }
0x70: {  	_ =	shalt  }
0x71: {  	_ =	shalt  }
0x72: {  	_ =	shalt  }
0x73: {  	_ =	shalt  }
0x74: {  	_ =	shalt  }
0x75: {  	_ =	shalt  }
0x76: {  	_ =	shalt  }
0x77: {  	_ =	shalt  }
0x78: {  	_ =	shalt  }
0x79: {  	_ =	shalt  }
0x7a: {  	_ =	shalt  }
0x7b: {  	_ =	shalt  }
0x7c: {  	_ =	shalt  }
0x7d: {  	_ =	shalt  }
0x7e: {  	_ =	shalt  }
0x7f: {  	_ =	shalt  }
0x80: {  	_ =	shalt  }
0x81: {  	_ =	shalt  }
0x82: {  	_ =	shalt  }
0x83: {  	_ =	shalt  }
0x84: {  	_ =	shalt  }
0x85: {  	_ =	shalt  }
0x86: {  	_ =	shalt  }
0x87: {  	_ =	shalt  }
.Lfunc_end0:
.L_simem_size_0:
called_computation.1_lowered:
.L_overlay_start_0:
0x88: {  	s2 =	sld [smem:$0x3FD9]  }
0x89: {  	s3 =	sld [smem:$0x3FFE];
	_ =	sdelay $0x1  }
0x8a: {  	s1 =	srdreg.scid  }
0x8b: {  	s0 =	sand.u32 $0x1, s1  }
0x8c: {  	s16 =	sshll.u32 s0, $0xA;
	s2 =	sadd.s32 s3, s2  }
0x8d: {  	s2 =	sadd.s32 s2, s16  }
0x8e: {  	[smem:$0x3FBC] =	sst s2  }
0x8f: {  	_ = 	snop  }
0x90: {  	(tm) =	ssettm $0x1  }
0x91: {  	s17 =	sld [smem:$0x3FFB];
	_ =	sdelay $0x3  }
0x92: {  	_ =	strace s17  }
0x93: {  	s2 =	sld [smem:$0x3FFC];
	_ =	sdelay $0x3  }
0x94: {  	_ =	strace s2  }
0x95: {  	s2 =	sld [smem:$0x3FFD];
	_ =	sdelay $0x3  }
0x96: {  	_ =	strace s2  }
0x97: {  	_ =	strace $0x8FFFFFFF  }
0x98: {  	s18 =	sld [smem:$0x3FDB];
	_ =	sdelay $0x1  }
0x99: {  	s19 =	simm.s32 $_scs_section_size  }
0x9a: {  	s4 =	simm.s32 $_size__tile_overlayer_lowered;
	s5 =	simm.s32 $_tile_overlayer_lowered  }
0x9b: {  	s22 =	simm.s32 $0x1BFF;
	s21 =	sshll.u32 s5, $0x1;
	s2 =	sadd.s32 s19, s18  }
0x9c: {  	s6 =	simm.s32 $0x0;
	s20 =	sshll.u32 s4, $0x1;
	s4 =	sadd.s32 s21, s2  }
0x9d: {  	[timem:s6], [sflag:s22] =	dma.local [hbm:s4], s20  }
0x9e: {  	_ =	swait.ge [sflag:s22], s20  }
0x9f: {  	s3 =	ssub.s32 $0x0, s20;
	[sflag:s22] =	ssyncset.done $0x0  }
0xa0: {  	[sflag:s22] =	ssyncadd.s32 s3;
	_ =	sdelay $0x1  }
0xa1: {  	s23 =	simm.s32 $0x1B8B  }
0xa2: {  	_ =	swait.ge [sflag:s23], $0x1  }
0xa3: {  	[sflag:s23] =	ssyncset.done $0x0  }
0xa4: {  	s25 =	simm.s32 $0x1B8E;
	s24 =	sld [smem:$0x3FFE];
	[sflag:s23] =	ssyncadd.s32 $0xFFFFFFFF  }
0xa5: {  	s26 =	simm.s32 $execute0_lowered;
	[smem:$0x3FD2] =	sst s25  }
0xa6: {  	s4 =	sshll.u32 s26, $0x1;
	_ =	strace $0x80000049;
	[dreg:$0x1] =	wrdreg $0xFFFFFFFF  }
0xa7: {  	s28 =	simm.s32 $_size_execute0_lowered;
	s2 =	sadd.s32 s2, s4;
	[dreg:$0x0] =	wrdreg $0x0  }
0xa8: {  	s4 =	sshll.u32 s28, $0x1;
	[dreg:$0x2] =	wrdreg s2  }
0xa9: {  	[dreg:$0x3] =	wrdreg s4  }
0xaa: {  	[dreg:$0x4] =	wrdreg $0xC0  }
0xab: {  	_ =	task [dreg:s6], $0x5FFFF  }
0xac: {  	[dreg:$0x1] =	wrdreg $0xFFFFFFFF  }
0xad: {  	[dreg:$0x0] =	wrdreg $0x60  }
0xae: {  	[dreg:$0x2] =	wrdreg s24  }
0xaf: {  	[dreg:$0x3] =	wrdreg $0x0  }
0xb0: {  	[dreg:$0x4] =	wrdreg $0x9  }
0xb1: {  	_ =	task.clear_ibuf [dreg:s6], $0x5FFFF;
	_ =	strace $0x90000049  }
0xb2: {  	s29 =	simm.s32 $0x9;
	_ =	strace $0x8000004B  }
0xb3: {  	_ =	swait.ge [sflag:s29], $0x1  }
0xb4: {  	[sflag:s29] =	ssyncadd.s32 $0xFFFFFFFF  }
0xb5: {  	_ =	strace $0x9000004B  }
0xb6: {  	_ =	sfence  }
0xb7: {  	s30 =	sld [smem:$0x0];
	_ =	sdelay $0x2  }
0xb8: {  	s31 =	sshll.u32 s1, $0xD;
	s1 =	sshrl.u32 s1, $0x2  }
0xb9: {  	s3 =	sand.u32 $0x4000, s31;
	s1 =	sadd.s32 s1, s30  }
0xba: {  	s0 =	sor.u32 s3, s0;
	s1 =	sshll.u32 s1, $0x11  }
0xbb: {  	s0 =	sor.u32 s1, s0  }
0xbc: {  	s0 =	sadd.s32 $0x8F2B, s0  }
0xbd: {  	[sflag:s0] =	ssyncadd.remote.s32 $0x1  }
0xbe: {  	_ =	sfence.sel $0xFFFF  }
0xbf: {  	[dreg:$0x0] =	wrdreg $0xFFFFFFFF;
	(pc) =	sbr.abs _section_cstart, $3  }
0xc0: {  	[dreg:$0x1] =	wrdreg $0xFFFFFFFF  }
0xc1: {  	_ =	task.clear_ibuf [dreg:s6], $0x2FFFF;
	_ =	strace $0x9FFFFFFF  }
0xc2: {  	(tm) =	ssettm $0x7FFFFFFF  }
0xc3: {  	_ =	shalt  }
tec
execute0_lowered:
.L_overlay_start_1:
0x0: {  	(tag) =	ssettag $0x1  }
0x1: {  	s0 =	srdreg.scid;
	s5 =	rddreg [dreg:$0x0]  }
0x2: {  	s2 =	rddreg [dreg:$0x1];
	s6 =	sand.u32 $0x1, s0  }
0x3: {  	s0 =	stileid.u32;
	s4 =	smul.u32 $0x28000, s6  }
0x4: {  	s1 =	rddreg [dreg:$0x2];
	s3 =	simm.s32 $0x0;
	s7 =	smul.u32 $0x2800, s0  }
0x5: {  	s15 =	simm.s32 $0x7D;
	s16 =	simm.s32 $0x19000;
	s9 =	smul.u32 $0x140000, s6  }
0x6: {  	s17 =	simm.s32 $0x0;
	[smem:$0x7FF] =	sst s3;
	s11 =	smul.u32 $0x14000, s0  }
0x7: {  	_ =	strace $0x8000004A;
	s6 =	ssub.s32 $0x2, s6;
	s26 =	smul.u32 $0x50000, s0  }
0x8: {  	s31 =	sshll.u32 s0, $0x6;
	s29 =	sshrl.u32 s6, $0x1;
	s8 =	sadd.s32 s7, s4  }
0x9: {  	s4 =	sadd.s32 $0x68A00, s5;
	s7 =	sshrl.u32 s7, $0x3;
	s9 =	sadd.s32 s11, s9  }
0xa: {  	s14 =	ssub.s32 s6, s29;
	s30 =	sshrl.u32 s26, $0x2;
	s6 =	sor.u32 $0x1C01, s31  }
0xb: {  	s10 =	sshrl.u32 s8, $0x3;
	s12 =	sadd.s32 s7, s5;
	s28 =	sshrl.u32 s9, $0x3  }
0xc: {  	s11 =	sadd.s32 s30, s2;
	s10 =	sadd.s32 s10, s5;
	s13 =	sadd.s32 s28, s5  }
0xd: {  	s5 =	sadd.s32 s4, s8;
	s8 =	sadd.s32 $0x63A00, s12;
	s11 =	sshrl.u32 s11, $0x3  }
0xe: {  	s12 =	simm.s32 $0x1;
	s7 =	sadd.s32 $0xB8A00, s10;
	s9 =	sadd.s32 $0xC2A00, s13  }
0xf: {  	s10 =	smax.u32 s14, $0x1;
	s13 =	simm.s32 $0x14000;
	s14 =	simm.s32 $0x16800  }
.LBB2_1:
0x10: {  	[spmem:s11], [sflag:s6] =	dma.local [hbm:s5], $0x2800  }
0x11: {  	_ =	swait.ge [sflag:s12], $0x2800  }
0x12: {  	[sflag:s12] =	ssyncset.done $0x0  }
0x13: {  	[sflag:s12] =	ssyncadd.s32 $0xFFFFD800  }
0x14: {  	[tilespmem:s13], [sflag:$0x1] =	stream.linear.gather [hbm4b:s7+s3], $0x2800, $0x38;
	[tilespmem:$0x1D000] =	vst v63  }
0x15: {  	_ =	swait.ge [sflag:s12], $0x2800  }
0x16: {  	[sflag:s12] =	ssyncset.done $0x0  }
0x17: {  	[sflag:s12] =	ssyncadd.s32 $0xFFFFD800  }
0x18: {  	[tilespmem:s14], [sflag:$0x1] =	stream.linear.gather [hbm4b:s8+s3], $0x2800, $0x38;
	[tilespmem:$0x1D000] =	vst v63  }
0x19: {  	_ =	swait.ge [sflag:s12], $0x2800  }
0x1a: {  	[sflag:s12] =	ssyncset.done $0x0  }
0x1b: {  	[sflag:s12] =	ssyncadd.s32 $0xFFFFD800  }
0x1c: {  	s18 =	simm.s32 $0x14000;
	[bflag:$0x0] =	sbarrier.arrive $0xFFFF  }
0x1d: {  	[tilespmem:s16], [sflag:$0x1] =	stream.indirect.gather [hbm4b:s4+s15], $0x80, s18, s15, $0xb8;
	[tilespmem:$0x1D000] =	vst v63  }
0x1e: {  	_ =	swait.ge [sflag:s12], $0x3E80  }
0x1f: {  	[sflag:s12] =	ssyncset.done $0x0  }
0x20: {  	s31 =	simm.s32 $0x16800;
	[sflag:s12] =	ssyncadd.s32 $0xFFFFC180  }
0x21: {  	[spmem:s2] =	stream.indirect.scatter.add.f32 [tilespmem:s16], [sflag:$0x1], $0x80, s31, s15, $0xb8;
	[tilespmem:$0x1D000] =	vst v63  }
0x22: {  	_ =	swait.ge [sflag:s12], $0x3E80  }
0x23: {  	s19 =	simm.s32 $0x400;
	s18 =	simm.s32 $0x80;
	[sflag:s12] =	ssyncset.done $0x0  }
.LBB2_2:
0x24: {  	s20 =	sadd.s32 $0x14000, s18  }
0x25: {  	[sflag:s12] =	ssyncadd.s32 $0xFFFFC180;
	s21 =	smov.u32 s19;
	s22 =	sadd.s32 $0x200, s19  }
0x26: {  	[tilespmem:s16], [sflag:$0x1] =	stream.indirect.gather [hbm4b:s4+s15], $0x80, s20, s15, $0xb8;
	[tilespmem:$0x1D000] =	vst v63  }
0x27: {  	p0 =	sne.s32 s19, $0x9E00;
	_ =	swait.ge [sflag:s12], $0x3E80  }
.Ltmp0:
0x28: {  	[sflag:s12] =	ssyncset.done $0x0;
	(pc) =	sbr.rel @p0 .LBB2_2-.Ltmp0, $4  }
0x29: {  	s18 =	sadd.s32 $0x16800, s18;
	[sflag:s12] =	ssyncadd.s32 $0xFFFFC180  }
0x2a: {  	[spmem:s2] =	stream.indirect.scatter.add.f32 [tilespmem:s16], [sflag:$0x1], $0x80, s18, s15, $0xb8;
	[tilespmem:$0x1D000] =	vst v63  }
0x2b: {  	_ =	swait.ge [sflag:s12], $0x3E80  }
0x2c: {  	s19 =	smov.u32 s22;
	s18 =	sshra.s32 s21, $0x2;
	[sflag:s12] =	ssyncset.done $0x0  }
0x2d: {  	s19 =	sadd.s32 $0x14000, s18;
	[sflag:s12] =	ssyncadd.s32 $0xFFFFC180  }
0x2e: {  	[tilespmem:s16], [sflag:$0x1] =	stream.indirect.gather [hbm4b:s4+s15], $0x80, s19, s15, $0xb8;
	[tilespmem:$0x1D000] =	vst v63  }
0x2f: {  	_ =	swait.ge [sflag:s12], $0x3E80  }
0x30: {  	[sflag:s12] =	ssyncset.done $0x0  }
0x31: {  	s31 =	sadd.s32 $0x16800, s18;
	[sflag:s12] =	ssyncadd.s32 $0xFFFFC180  }
0x32: {  	[spmem:s2] =	stream.indirect.scatter.add.f32 [tilespmem:s16], [sflag:$0x1], $0x80, s31, s15, $0xb8;
	[tilespmem:$0x1D000] =	vst v63  }
0x33: {  	_ =	swait.ge [sflag:s12], $0x3E80  }
0x34: {  	s17 =	sadd.s32 $0x1, s17;
	[sflag:s12] =	ssyncset.done $0x0  }
0x35: {  	p0 =	sne.s32 s17, s10;
	[sflag:s12] =	ssyncadd.s32 $0xFFFFC180  }
.Ltmp1:
0x36: {  	[bflag:$0x0] =	sbarrier.arrive $0xFFFF;
	(pc) =	sbr.rel @p0 .LBB2_1-.Ltmp1, $4  }
0x37: {  	[hbm:s9], [sflag:s6] =	dma.local [spmem:s11], $0x2800  }
0x38: {  	_ =	swait.ge [sflag:s12], $0x2800  }
0x39: {  	[sflag:s12] =	ssyncset.done $0x0  }
0x3a: {  	[sflag:s12] =	ssyncadd.s32 $0xFFFFD800  }
0x3b: {  	_ =	sfence.sel $0x180000  }
0x3c: {  	[bflag:$0x0] =	sbarrier.arrive $0xFFFF  }
0x3d: {  	p0 =	sne.s32 s0, $0x0;
	_ =	strace $0x9000004A  }
0x3e: {  	s0 =	sadd.s32 @!p0 $0x100000, s1;
	[bflag:$0x2] =	sbarrier.arrive $0xFFFF  }
0x3f: {  	[sflag:s0] =	ssyncadd.tile.s32 @!p0 $0x1;
	_ =	shalt  }
.Lfunc_end2:
_tile_overlayer_lowered:
.L_overlay_start_2:
0x40: {  	(tag) =	ssettag $0x2  }
0x41: {  	s0 =	rddreg [dreg:$0x0];
	s2 =	stileid.u32  }
0x42: {  	s1 =	rddreg [dreg:$0x1];
	p0 =	sne.s32 s2, $0x0  }
0x43: {  	s3 =	rddreg [dreg:$0x2];
	[bflag:$0x3] =	sbarrier.arrive $0xFFFF;
	s2 =	simm.s32 @!p0 $0x1C01  }
0x44: {  	[timem:s3], [sflag:s2] =	dma.local @!p0 [hbm:s0], s1  }
0x45: {  	s0 =	simm.s32 @!p0 $0x1  }
0x46: {  	_ =	swait.ge @!p0 [sflag:s0], s1  }
0x47: {  	s1 =	ssub.s32 @!p0 $0x0, s1;
	[sflag:s0] =	ssyncset.done @!p0 $0x0  }
0x48: {  	[sflag:s0] =	ssyncadd.s32 @!p0 s1  }
0x49: {  	[bflag:$0x3] =	sbarrier.arrive $0xFFFF  }
0x4a: {  	_ =	shalt  }

// kernel: kernel.15.cloned.1.call-start
scs
__scs_entry_jumppad:
0x0: {  	(pc) =	sbr.rel $0x88, $3  }
0x1: {  	(tag) =	ssettag $0x0;
	lr =	simm.s32 $0x1  }
0x2: {  	[smem:$0x3F95] =	sst lr;
	_ =	strace $0xD0000000  }
0x3: {  	_ = 	snop  }
0x4: {  	_ = 	snop  }
0x5: {  	_ = 	snop  }
0x6: {  	_ = 	snop  }
0x7: {  	_ = 	snop  }
__scs_overlays_trampoline_lowered:
0x8: {  	[smem:$0x3FA4] =	sst s0  }
0x9: {  	[smem:$0x3FA5] =	sst s1  }
0xa: {  	[smem:$0x3FA6] =	sst s2  }
0xb: {  	[smem:$0x3FA7] =	sst s3  }
0xc: {  	[smem:$0x3FA8] =	sst s4  }
0xd: {  	[smem:$0x3FA9] =	sst s5  }
0xe: {  	[smem:$0x3FAA] =	sst s6  }
0xf: {  	[smem:$0x3FAB] =	sst s7  }
0x10: {  	[smem:$0x3FAC] =	sst s8  }
0x11: {  	[smem:$0x3FAD] =	sst s9;
	s0 =	simm.s32 @!p0 $0x0  }
0x12: {  	s1 =	sld [smem:$0x3F93];
	s0 =	simm.s32 @p0 $0x1  }
0x13: {  	[smem:$0x3FAE] =	sst s0;
	s0 =	simm.s32 @!p1 $0x0  }
0x14: {  	s2 =	sld [smem:$0x3F92];
	s0 =	simm.s32 @p1 $0x1  }
0x15: {  	[smem:$0x3FAF] =	sst s0;
	s0 =	simm.s32 @!p2 $0x0  }
0x16: {  	s3 =	sld [smem:$0x3FDB];
	s0 =	simm.s32 @p2 $0x1  }
0x17: {  	s4 =	simm.s32 $0x1BF5;
	[smem:$0x3FB1] =	sst s0  }
0x18: {  	s0 =	sld [smem:$0x3F94];
	_ =	swait.ge [sflag:s4], $0x0  }
0x19: {  	s7 =	sld [smem:$0x3F95]  }
0x1a: {  	s8 =	sadd.s32 $0xFFFFE003, lr  }
0x1b: {  	s9 =	sadd.s32 $0xFFFFFEF7, lr;
	s5 =	simm.s32 $0xFFFFFFFF;
	p2 =	slt.u32 s8, $0xFFFFF086  }
0x1c: {  	p1 =	slt.u32 s9, $0xF7A;
	s5 =	simm.s32 @!p2 $0x0  }
0x1d: {  	s5 =	simm.s32 @p1 $0x1;
	p0 =	seq.s32 s7, s2  }
0x1e: {  	s7 =	smul.u32 @!p0 $0xF7A, s2;
	p2 =	seq.s32 @!p0 s5, $0x0  }
0x1f: {  	s9 =	smul.u32 $0xF7A, s1;
	s8 =	simm.s32 @!p0 $0x1BF5;
	p2 =	por !p2, p0  }
0x20: {  	[sflag:s8] =	ssyncset.s32 @!p0 $0xFFFFF086;
	s6 =	sadd.s32 @!p0 s3, s7;
	s7 =	simm.s32 @!p0 $0x108  }
0x21: {  	s3 =	sadd.s32 s3, s9;
	s6 =	sadd.s32 @!p0 $0x88, s6;
	s7 =	simm.s32 @p2 $0x1082  }
0x22: {  	[simem:s7], [sflag:s8] =	dma.local @!p0 [hbm:s6], $0xF7A  }
0x23: {  	s9 =	sor.u32 $0xD0000000, s2;
	s6 =	simm.s32 $0x108;
	_ =	swait.ge @!p0 [sflag:s8], $0x0  }
0x24: {  	s3 =	sadd.s32 $0x88, s3;
	s6 =	simm.s32 @!p1 $0x1082;
	[sflag:s4] =	ssyncset.s32 $0xFFFFF086  }
0x25: {  	[simem:s6], [sflag:s4] =	dma.local [hbm:s3], $0xF7A  }
0x26: {  	[smem:$0x3F95] =	sst s1;
	(tag) =	ssettag s2;
	_ =	strace s9  }
0x27: {  	s1 =	sld [smem:$0x3FA5]  }
0x28: {  	s2 =	sld [smem:$0x3FA6]  }
0x29: {  	s4 =	sld [smem:$0x3FA8]  }
0x2a: {  	p0 =	seq.s32 s5, $0x0;
	s5 =	sld [smem:$0x3FA9]  }
0x2b: {  	s6 =	sld [smem:$0x3FAA]  }
0x2c: {  	s7 =	sld [smem:$0x3FAB]  }
0x2d: {  	s3 =	simm.s32 $0x108;
	s8 =	sld [smem:$0x3FAC]  }
0x2e: {  	s3 =	simm.s32 @!p0 $0x1082;
	s9 =	sld [smem:$0x3FAD]  }
0x2f: {  	lr =	sadd.s32 s0, s3;
	s0 =	sld [smem:$0x3FA4]  }
0x30: {  	s3 =	sld [smem:$0x3FA7]  }
0x31: {  	[smem:$0x3FB0] =	sst s10  }
0x32: {  	s10 =	sld [smem:$0x3FAE];
	_ =	sdelay $0x3  }
0x33: {  	p0 =	seq.s32 s10, $0x1;
	s10 =	sld [smem:$0x3FB0];
	_ =	sdelay $0x3  }
0x34: {  	[smem:$0x3FB0] =	sst s10  }
0x35: {  	s10 =	sld [smem:$0x3FAF];
	_ =	sdelay $0x3  }
0x36: {  	p1 =	seq.s32 s10, $0x1;
	s10 =	sld [smem:$0x3FB0];
	_ =	sdelay $0x3  }
0x37: {  	[smem:$0x3FB0] =	sst s10  }
0x38: {  	s10 =	sld [smem:$0x3FB1]  }
0x39: {  	_ = 	snop;
	(pc) =	sbr.ind lr, $3  }
0x3a: {  	_ = 	snop  }
0x3b: {  	_ = 	snop  }
0x3c: {  	p2 =	seq.s32 s10, $0x1;
	s10 =	sld [smem:$0x3FB0]  }
0x3d: {  	_ =	shalt  }
0x3e: {  	_ =	shalt  }
0x3f: {  	_ =	shalt  }
0x40: {  	_ =	shalt  }
0x41: {  	_ =	shalt  }
0x42: {  	_ =	shalt  }
0x43: {  	_ =	shalt  }
0x44: {  	_ =	shalt  }
0x45: {  	_ =	shalt  }
0x46: {  	_ =	shalt  }
0x47: {  	_ =	shalt  }
0x48: {  	_ =	shalt  }
0x49: {  	_ =	shalt  }
0x4a: {  	_ =	shalt  }
0x4b: {  	_ =	shalt  }
0x4c: {  	_ =	shalt  }
0x4d: {  	_ =	shalt  }
0x4e: {  	_ =	shalt  }
0x4f: {  	_ =	shalt  }
0x50: {  	_ =	shalt  }
0x51: {  	_ =	shalt  }
0x52: {  	_ =	shalt  }
0x53: {  	_ =	shalt  }
0x54: {  	_ =	shalt  }
0x55: {  	_ =	shalt  }
0x56: {  	_ =	shalt  }
0x57: {  	_ =	shalt  }
0x58: {  	_ =	shalt  }
0x59: {  	_ =	shalt  }
0x5a: {  	_ =	shalt  }
0x5b: {  	_ =	shalt  }
0x5c: {  	_ =	shalt  }
0x5d: {  	_ =	shalt  }
0x5e: {  	_ =	shalt  }
0x5f: {  	_ =	shalt  }
0x60: {  	_ =	shalt  }
0x61: {  	_ =	shalt  }
0x62: {  	_ =	shalt  }
0x63: {  	_ =	shalt  }
0x64: {  	_ =	shalt  }
0x65: {  	_ =	shalt  }
0x66: {  	_ =	shalt  }
0x67: {  	_ =	shalt  }
0x68: {  	_ =	shalt  }
0x69: {  	_ =	shalt  }
0x6a: {  	_ =	shalt  }
0x6b: {  	_ =	shalt  }
0x6c: {  	_ =	shalt  }
0x6d: {  	_ =	shalt  }
0x6e: {  	_ =	shalt  }
0x6f: {  	_ =	shalt  }
0x70: {  	_ =	shalt  }
0x71: {  	_ =	shalt  }
0x72: {  	_ =	shalt  }
0x73: {  	_ =	shalt  }
0x74: {  	_ =	shalt  }
0x75: {  	_ =	shalt  }
0x76: {  	_ =	shalt  }
0x77: {  	_ =	shalt  }
0x78: {  	_ =	shalt  }
0x79: {  	_ =	shalt  }
0x7a: {  	_ =	shalt  }
0x7b: {  	_ =	shalt  }
0x7c: {  	_ =	shalt  }
0x7d: {  	_ =	shalt  }
0x7e: {  	_ =	shalt  }
0x7f: {  	_ =	shalt  }
0x80: {  	_ =	shalt  }
0x81: {  	_ =	shalt  }
0x82: {  	_ =	shalt  }
0x83: {  	_ =	shalt  }
0x84: {  	_ =	shalt  }
0x85: {  	_ =	shalt  }
0x86: {  	_ =	shalt  }
0x87: {  	_ =	shalt  }
.Lfunc_end0:
.L_simem_size_0:
called_computation.2_lowered:
.L_overlay_start_0:
0x88: {  	s2 =	sld [smem:$0x3FD9]  }
0x89: {  	s3 =	sld [smem:$0x3FFE];
	_ =	sdelay $0x1  }
0x8a: {  	s1 =	srdreg.scid  }
0x8b: {  	s0 =	sand.u32 $0x1, s1  }
0x8c: {  	s16 =	sshll.u32 s0, $0xA;
	s2 =	sadd.s32 s3, s2  }
0x8d: {  	s2 =	sadd.s32 s2, s16  }
0x8e: {  	[smem:$0x3FBC] =	sst s2  }
0x8f: {  	_ = 	snop  }
0x90: {  	(tm) =	ssettm $0x1  }
0x91: {  	s17 =	sld [smem:$0x3FFB];
	_ =	sdelay $0x3  }
0x92: {  	_ =	strace s17  }
0x93: {  	s2 =	sld [smem:$0x3FFC];
	_ =	sdelay $0x3  }
0x94: {  	_ =	strace s2  }
0x95: {  	s2 =	sld [smem:$0x3FFD];
	_ =	sdelay $0x3  }
0x96: {  	_ =	strace s2  }
0x97: {  	_ =	strace $0x8FFFFFFF  }
0x98: {  	s18 =	sld [smem:$0x3FDB];
	_ =	sdelay $0x1  }
0x99: {  	s19 =	simm.s32 $_scs_section_size  }
0x9a: {  	s4 =	simm.s32 $_size__tile_overlayer_lowered;
	s5 =	simm.s32 $_tile_overlayer_lowered  }
0x9b: {  	s22 =	simm.s32 $0x1BFF;
	s21 =	sshll.u32 s5, $0x1;
	s2 =	sadd.s32 s19, s18  }
0x9c: {  	s6 =	simm.s32 $0x0;
	s20 =	sshll.u32 s4, $0x1;
	s4 =	sadd.s32 s21, s2  }
0x9d: {  	[timem:s6], [sflag:s22] =	dma.local [hbm:s4], s20  }
0x9e: {  	_ =	swait.ge [sflag:s22], s20  }
0x9f: {  	s3 =	ssub.s32 $0x0, s20;
	[sflag:s22] =	ssyncset.done $0x0  }
0xa0: {  	[sflag:s22] =	ssyncadd.s32 s3;
	_ =	sdelay $0x1  }
0xa1: {  	s23 =	simm.s32 $0x1B8B  }
0xa2: {  	_ =	swait.ge [sflag:s23], $0x1  }
0xa3: {  	[sflag:s23] =	ssyncset.done $0x0  }
0xa4: {  	s25 =	simm.s32 $0x1B8E;
	s24 =	sld [smem:$0x3FFE];
	[sflag:s23] =	ssyncadd.s32 $0xFFFFFFFF  }
0xa5: {  	s26 =	simm.s32 $execute0_lowered;
	[smem:$0x3FD2] =	sst s25  }
0xa6: {  	s4 =	sshll.u32 s26, $0x1;
	_ =	strace $0x8000004C;
	[dreg:$0x1] =	wrdreg $0xFFFFFFFF  }
0xa7: {  	s28 =	simm.s32 $_size_execute0_lowered;
	s2 =	sadd.s32 s2, s4;
	[dreg:$0x0] =	wrdreg $0x0  }
0xa8: {  	s4 =	sshll.u32 s28, $0x1;
	[dreg:$0x2] =	wrdreg s2  }
0xa9: {  	[dreg:$0x3] =	wrdreg s4  }
0xaa: {  	[dreg:$0x4] =	wrdreg $0xC0  }
0xab: {  	_ =	task [dreg:s6], $0x5FFFF  }
0xac: {  	[dreg:$0x1] =	wrdreg $0xFFFFFFFF  }
0xad: {  	[dreg:$0x0] =	wrdreg $0x60  }
0xae: {  	[dreg:$0x2] =	wrdreg s24  }
0xaf: {  	[dreg:$0x3] =	wrdreg $0x0  }
0xb0: {  	[dreg:$0x4] =	wrdreg $0x9  }
0xb1: {  	_ =	task.clear_ibuf [dreg:s6], $0x5FFFF;
	_ =	strace $0x9000004C  }
0xb2: {  	s29 =	simm.s32 $0x9;
	_ =	strace $0x8000004E  }
0xb3: {  	_ =	swait.ge [sflag:s29], $0x1  }
0xb4: {  	[sflag:s29] =	ssyncadd.s32 $0xFFFFFFFF  }
0xb5: {  	_ =	strace $0x9000004E  }
0xb6: {  	_ =	sfence  }
0xb7: {  	s30 =	sld [smem:$0x0];
	_ =	sdelay $0x2  }
0xb8: {  	s31 =	sshll.u32 s1, $0xD;
	s1 =	sshrl.u32 s1, $0x2  }
0xb9: {  	s3 =	sand.u32 $0x4000, s31;
	s1 =	sadd.s32 s1, s30  }
0xba: {  	s0 =	sor.u32 s3, s0;
	s1 =	sshll.u32 s1, $0x11  }
0xbb: {  	s0 =	sor.u32 s1, s0  }
0xbc: {  	s0 =	sadd.s32 $0x8F2B, s0  }
0xbd: {  	[sflag:s0] =	ssyncadd.remote.s32 $0x1  }
0xbe: {  	_ =	sfence.sel $0xFFFF  }
0xbf: {  	[dreg:$0x0] =	wrdreg $0xFFFFFFFF;
	(pc) =	sbr.abs _section_cstart, $3  }
0xc0: {  	[dreg:$0x1] =	wrdreg $0xFFFFFFFF  }
0xc1: {  	_ =	task.clear_ibuf [dreg:s6], $0x2FFFF;
	_ =	strace $0x9FFFFFFF  }
0xc2: {  	(tm) =	ssettm $0x7FFFFFFF  }
0xc3: {  	_ =	shalt  }
tec
execute0_lowered:
.L_overlay_start_1:
0x0: {  	(tag) =	ssettag $0x1  }
0x1: {  	s0 =	srdreg.scid;
	s5 =	rddreg [dreg:$0x0]  }
0x2: {  	s2 =	rddreg [dreg:$0x1];
	s6 =	sand.u32 $0x1, s0  }
0x3: {  	s0 =	stileid.u32;
	s4 =	smul.u32 $0x28000, s6  }
0x4: {  	s1 =	rddreg [dreg:$0x2];
	s3 =	simm.s32 $0x0;
	s7 =	smul.u32 $0x2800, s0  }
0x5: {  	s15 =	simm.s32 $0x7D;
	s16 =	simm.s32 $0x19000;
	s9 =	smul.u32 $0x140000, s6  }
0x6: {  	s17 =	simm.s32 $0x0;
	[smem:$0x7FF] =	sst s3;
	s11 =	smul.u32 $0x14000, s0  }
0x7: {  	_ =	strace $0x8000004D;
	s6 =	ssub.s32 $0x2, s6;
	s26 =	smul.u32 $0x50000, s0  }
0x8: {  	s31 =	sshll.u32 s0, $0x6;
	s29 =	sshrl.u32 s6, $0x1;
	s8 =	sadd.s32 s7, s4  }
0x9: {  	s4 =	sadd.s32 $0x68A00, s5;
	s7 =	sshrl.u32 s7, $0x3;
	s9 =	sadd.s32 s11, s9  }
0xa: {  	s14 =	ssub.s32 s6, s29;
	s30 =	sshrl.u32 s26, $0x2;
	s6 =	sor.u32 $0x1C01, s31  }
0xb: {  	s10 =	sshrl.u32 s8, $0x3;
	s12 =	sadd.s32 s7, s5;
	s28 =	sshrl.u32 s9, $0x3  }
0xc: {  	s11 =	sadd.s32 s30, s2;
	s10 =	sadd.s32 s10, s5;
	s13 =	sadd.s32 s28, s5  }
0xd: {  	s5 =	sadd.s32 s4, s8;
	s8 =	sadd.s32 $0x63A00, s12;
	s11 =	sshrl.u32 s11, $0x3  }
0xe: {  	s12 =	simm.s32 $0x1;
	s7 =	sadd.s32 $0xB8A00, s10;
	s9 =	sadd.s32 $0xC2A00, s13  }
0xf: {  	s10 =	smax.u32 s14, $0x1;
	s13 =	simm.s32 $0x14000;
	s14 =	simm.s32 $0x16800  }
.LBB2_1:
0x10: {  	[spmem:s11], [sflag:s6] =	dma.local [hbm:s5], $0x2800  }
0x11: {  	_ =	swait.ge [sflag:s12], $0x2800  }
0x12: {  	[sflag:s12] =	ssyncset.done $0x0  }
0x13: {  	[sflag:s12] =	ssyncadd.s32 $0xFFFFD800  }
0x14: {  	[tilespmem:s13], [sflag:$0x1] =	stream.linear.gather [hbm4b:s7+s3], $0x2800, $0x38;
	[tilespmem:$0x1D000] =	vst v63  }
0x15: {  	_ =	swait.ge [sflag:s12], $0x2800  }
0x16: {  	[sflag:s12] =	ssyncset.done $0x0  }
0x17: {  	[sflag:s12] =	ssyncadd.s32 $0xFFFFD800  }
0x18: {  	[tilespmem:s14], [sflag:$0x1] =	stream.linear.gather [hbm4b:s8+s3], $0x2800, $0x38;
	[tilespmem:$0x1D000] =	vst v63  }
0x19: {  	_ =	swait.ge [sflag:s12], $0x2800  }
0x1a: {  	[sflag:s12] =	ssyncset.done $0x0  }
0x1b: {  	[sflag:s12] =	ssyncadd.s32 $0xFFFFD800  }
0x1c: {  	s18 =	simm.s32 $0x14000;
	[bflag:$0x0] =	sbarrier.arrive $0xFFFF  }
0x1d: {  	[tilespmem:s16], [sflag:$0x1] =	stream.indirect.gather [hbm4b:s4+s15], $0x80, s18, s15, $0xb8;
	[tilespmem:$0x1D000] =	vst v63  }
0x1e: {  	_ =	swait.ge [sflag:s12], $0x3E80  }
0x1f: {  	[sflag:s12] =	ssyncset.done $0x0  }
0x20: {  	s31 =	simm.s32 $0x16800;
	[sflag:s12] =	ssyncadd.s32 $0xFFFFC180  }
0x21: {  	[spmem:s2] =	stream.indirect.scatter.add.f32 [tilespmem:s16], [sflag:$0x1], $0x80, s31, s15, $0xb8;
	[tilespmem:$0x1D000] =	vst v63  }
0x22: {  	_ =	swait.ge [sflag:s12], $0x3E80  }
0x23: {  	s19 =	simm.s32 $0x400;
	s18 =	simm.s32 $0x80;
	[sflag:s12] =	ssyncset.done $0x0  }
.LBB2_2:
0x24: {  	s20 =	sadd.s32 $0x14000, s18  }
0x25: {  	[sflag:s12] =	ssyncadd.s32 $0xFFFFC180;
	s21 =	smov.u32 s19;
	s22 =	sadd.s32 $0x200, s19  }
0x26: {  	[tilespmem:s16], [sflag:$0x1] =	stream.indirect.gather [hbm4b:s4+s15], $0x80, s20, s15, $0xb8;
	[tilespmem:$0x1D000] =	vst v63  }
0x27: {  	p0 =	sne.s32 s19, $0x9E00;
	_ =	swait.ge [sflag:s12], $0x3E80  }
.Ltmp0:
0x28: {  	[sflag:s12] =	ssyncset.done $0x0;
	(pc) =	sbr.rel @p0 .LBB2_2-.Ltmp0, $4  }
0x29: {  	s18 =	sadd.s32 $0x16800, s18;
	[sflag:s12] =	ssyncadd.s32 $0xFFFFC180  }
0x2a: {  	[spmem:s2] =	stream.indirect.scatter.add.f32 [tilespmem:s16], [sflag:$0x1], $0x80, s18, s15, $0xb8;
	[tilespmem:$0x1D000] =	vst v63  }
0x2b: {  	_ =	swait.ge [sflag:s12], $0x3E80  }
0x2c: {  	s19 =	smov.u32 s22;
	s18 =	sshra.s32 s21, $0x2;
	[sflag:s12] =	ssyncset.done $0x0  }
0x2d: {  	s19 =	sadd.s32 $0x14000, s18;
	[sflag:s12] =	ssyncadd.s32 $0xFFFFC180  }
0x2e: {  	[tilespmem:s16], [sflag:$0x1] =	stream.indirect.gather [hbm4b:s4+s15], $0x80, s19, s15, $0xb8;
	[tilespmem:$0x1D000] =	vst v63  }
0x2f: {  	_ =	swait.ge [sflag:s12], $0x3E80  }
0x30: {  	[sflag:s12] =	ssyncset.done $0x0  }
0x31: {  	s31 =	sadd.s32 $0x16800, s18;
	[sflag:s12] =	ssyncadd.s32 $0xFFFFC180  }
0x32: {  	[spmem:s2] =	stream.indirect.scatter.add.f32 [tilespmem:s16], [sflag:$0x1], $0x80, s31, s15, $0xb8;
	[tilespmem:$0x1D000] =	vst v63  }
0x33: {  	_ =	swait.ge [sflag:s12], $0x3E80  }
0x34: {  	s17 =	sadd.s32 $0x1, s17;
	[sflag:s12] =	ssyncset.done $0x0  }
0x35: {  	p0 =	sne.s32 s17, s10;
	[sflag:s12] =	ssyncadd.s32 $0xFFFFC180  }
.Ltmp1:
0x36: {  	[bflag:$0x0] =	sbarrier.arrive $0xFFFF;
	(pc) =	sbr.rel @p0 .LBB2_1-.Ltmp1, $4  }
0x37: {  	[hbm:s9], [sflag:s6] =	dma.local [spmem:s11], $0x2800  }
0x38: {  	_ =	swait.ge [sflag:s12], $0x2800  }
0x39: {  	[sflag:s12] =	ssyncset.done $0x0  }
0x3a: {  	[sflag:s12] =	ssyncadd.s32 $0xFFFFD800  }
0x3b: {  	_ =	sfence.sel $0x180000  }
0x3c: {  	[bflag:$0x0] =	sbarrier.arrive $0xFFFF  }
0x3d: {  	p0 =	sne.s32 s0, $0x0;
	_ =	strace $0x9000004D  }
0x3e: {  	s0 =	sadd.s32 @!p0 $0x100000, s1;
	[bflag:$0x2] =	sbarrier.arrive $0xFFFF  }
0x3f: {  	[sflag:s0] =	ssyncadd.tile.s32 @!p0 $0x1;
	_ =	shalt  }
.Lfunc_end2:
_tile_overlayer_lowered:
.L_overlay_start_2:
0x40: {  	(tag) =	ssettag $0x2  }
0x41: {  	s0 =	rddreg [dreg:$0x0];
	s2 =	stileid.u32  }
0x42: {  	s1 =	rddreg [dreg:$0x1];
	p0 =	sne.s32 s2, $0x0  }
0x43: {  	s3 =	rddreg [dreg:$0x2];
	[bflag:$0x3] =	sbarrier.arrive $0xFFFF;
	s2 =	simm.s32 @!p0 $0x1C01  }
0x44: {  	[timem:s3], [sflag:s2] =	dma.local @!p0 [hbm:s0], s1  }
0x45: {  	s0 =	simm.s32 @!p0 $0x1  }
0x46: {  	_ =	swait.ge @!p0 [sflag:s0], s1  }
0x47: {  	s1 =	ssub.s32 @!p0 $0x0, s1;
	[sflag:s0] =	ssyncset.done @!p0 $0x0  }
0x48: {  	[sflag:s0] =	ssyncadd.s32 @!p0 s1  }
0x49: {  	[bflag:$0x3] =	sbarrier.arrive $0xFFFF  }
0x4a: {  	_ =	shalt  }

// kernel: kernel.9.cloned.1.call-start
scs
__scs_entry_jumppad:
0x0: {  	(pc) =	sbr.rel $0x88, $3  }
0x1: {  	(tag) =	ssettag $0x0;
	lr =	simm.s32 $0x1  }
0x2: {  	[smem:$0x3F95] =	sst lr;
	_ =	strace $0xD0000000  }
0x3: {  	_ = 	snop  }
0x4: {  	_ = 	snop  }
0x5: {  	_ = 	snop  }
0x6: {  	_ = 	snop  }
0x7: {  	_ = 	snop  }
__scs_overlays_trampoline_lowered:
0x8: {  	[smem:$0x3FA4] =	sst s0  }
0x9: {  	[smem:$0x3FA5] =	sst s1  }
0xa: {  	[smem:$0x3FA6] =	sst s2  }
0xb: {  	[smem:$0x3FA7] =	sst s3  }
0xc: {  	[smem:$0x3FA8] =	sst s4  }
0xd: {  	[smem:$0x3FA9] =	sst s5  }
0xe: {  	[smem:$0x3FAA] =	sst s6  }
0xf: {  	[smem:$0x3FAB] =	sst s7  }
0x10: {  	[smem:$0x3FAC] =	sst s8  }
0x11: {  	[smem:$0x3FAD] =	sst s9;
	s0 =	simm.s32 @!p0 $0x0  }
0x12: {  	s1 =	sld [smem:$0x3F93];
	s0 =	simm.s32 @p0 $0x1  }
0x13: {  	[smem:$0x3FAE] =	sst s0;
	s0 =	simm.s32 @!p1 $0x0  }
0x14: {  	s2 =	sld [smem:$0x3F92];
	s0 =	simm.s32 @p1 $0x1  }
0x15: {  	[smem:$0x3FAF] =	sst s0;
	s0 =	simm.s32 @!p2 $0x0  }
0x16: {  	s3 =	sld [smem:$0x3FDB];
	s0 =	simm.s32 @p2 $0x1  }
0x17: {  	s4 =	simm.s32 $0x1BF5;
	[smem:$0x3FB1] =	sst s0  }
0x18: {  	s0 =	sld [smem:$0x3F94];
	_ =	swait.ge [sflag:s4], $0x0  }
0x19: {  	s7 =	sld [smem:$0x3F95]  }
0x1a: {  	s8 =	sadd.s32 $0xFFFFE003, lr  }
0x1b: {  	s9 =	sadd.s32 $0xFFFFFEF7, lr;
	s5 =	simm.s32 $0xFFFFFFFF;
	p2 =	slt.u32 s8, $0xFFFFF086  }
0x1c: {  	p1 =	slt.u32 s9, $0xF7A;
	s5 =	simm.s32 @!p2 $0x0  }
0x1d: {  	s5 =	simm.s32 @p1 $0x1;
	p0 =	seq.s32 s7, s2  }
0x1e: {  	s7 =	smul.u32 @!p0 $0xF7A, s2;
	p2 =	seq.s32 @!p0 s5, $0x0  }
0x1f: {  	s9 =	smul.u32 $0xF7A, s1;
	s8 =	simm.s32 @!p0 $0x1BF5;
	p2 =	por !p2, p0  }
0x20: {  	[sflag:s8] =	ssyncset.s32 @!p0 $0xFFFFF086;
	s6 =	sadd.s32 @!p0 s3, s7;
	s7 =	simm.s32 @!p0 $0x108  }
0x21: {  	s3 =	sadd.s32 s3, s9;
	s6 =	sadd.s32 @!p0 $0x88, s6;
	s7 =	simm.s32 @p2 $0x1082  }
0x22: {  	[simem:s7], [sflag:s8] =	dma.local @!p0 [hbm:s6], $0xF7A  }
0x23: {  	s9 =	sor.u32 $0xD0000000, s2;
	s6 =	simm.s32 $0x108;
	_ =	swait.ge @!p0 [sflag:s8], $0x0  }
0x24: {  	s3 =	sadd.s32 $0x88, s3;
	s6 =	simm.s32 @!p1 $0x1082;
	[sflag:s4] =	ssyncset.s32 $0xFFFFF086  }
0x25: {  	[simem:s6], [sflag:s4] =	dma.local [hbm:s3], $0xF7A  }
0x26: {  	[smem:$0x3F95] =	sst s1;
	(tag) =	ssettag s2;
	_ =	strace s9  }
0x27: {  	s1 =	sld [smem:$0x3FA5]  }
0x28: {  	s2 =	sld [smem:$0x3FA6]  }
0x29: {  	s4 =	sld [smem:$0x3FA8]  }
0x2a: {  	p0 =	seq.s32 s5, $0x0;
	s5 =	sld [smem:$0x3FA9]  }
0x2b: {  	s6 =	sld [smem:$0x3FAA]  }
0x2c: {  	s7 =	sld [smem:$0x3FAB]  }
0x2d: {  	s3 =	simm.s32 $0x108;
	s8 =	sld [smem:$0x3FAC]  }
0x2e: {  	s3 =	simm.s32 @!p0 $0x1082;
	s9 =	sld [smem:$0x3FAD]  }
0x2f: {  	lr =	sadd.s32 s0, s3;
	s0 =	sld [smem:$0x3FA4]  }
0x30: {  	s3 =	sld [smem:$0x3FA7]  }
0x31: {  	[smem:$0x3FB0] =	sst s10  }
0x32: {  	s10 =	sld [smem:$0x3FAE];
	_ =	sdelay $0x3  }
0x33: {  	p0 =	seq.s32 s10, $0x1;
	s10 =	sld [smem:$0x3FB0];
	_ =	sdelay $0x3  }
0x34: {  	[smem:$0x3FB0] =	sst s10  }
0x35: {  	s10 =	sld [smem:$0x3FAF];
	_ =	sdelay $0x3  }
0x36: {  	p1 =	seq.s32 s10, $0x1;
	s10 =	sld [smem:$0x3FB0];
	_ =	sdelay $0x3  }
0x37: {  	[smem:$0x3FB0] =	sst s10  }
0x38: {  	s10 =	sld [smem:$0x3FB1]  }
0x39: {  	_ = 	snop;
	(pc) =	sbr.ind lr, $3  }
0x3a: {  	_ = 	snop  }
0x3b: {  	_ = 	snop  }
0x3c: {  	p2 =	seq.s32 s10, $0x1;
	s10 =	sld [smem:$0x3FB0]  }
0x3d: {  	_ =	shalt  }
0x3e: {  	_ =	shalt  }
0x3f: {  	_ =	shalt  }
0x40: {  	_ =	shalt  }
0x41: {  	_ =	shalt  }
0x42: {  	_ =	shalt  }
0x43: {  	_ =	shalt  }
0x44: {  	_ =	shalt  }
0x45: {  	_ =	shalt  }
0x46: {  	_ =	shalt  }
0x47: {  	_ =	shalt  }
0x48: {  	_ =	shalt  }
0x49: {  	_ =	shalt  }
0x4a: {  	_ =	shalt  }
0x4b: {  	_ =	shalt  }
0x4c: {  	_ =	shalt  }
0x4d: {  	_ =	shalt  }
0x4e: {  	_ =	shalt  }
0x4f: {  	_ =	shalt  }
0x50: {  	_ =	shalt  }
0x51: {  	_ =	shalt  }
0x52: {  	_ =	shalt  }
0x53: {  	_ =	shalt  }
0x54: {  	_ =	shalt  }
0x55: {  	_ =	shalt  }
0x56: {  	_ =	shalt  }
0x57: {  	_ =	shalt  }
0x58: {  	_ =	shalt  }
0x59: {  	_ =	shalt  }
0x5a: {  	_ =	shalt  }
0x5b: {  	_ =	shalt  }
0x5c: {  	_ =	shalt  }
0x5d: {  	_ =	shalt  }
0x5e: {  	_ =	shalt  }
0x5f: {  	_ =	shalt  }
0x60: {  	_ =	shalt  }
0x61: {  	_ =	shalt  }
0x62: {  	_ =	shalt  }
0x63: {  	_ =	shalt  }
0x64: {  	_ =	shalt  }
0x65: {  	_ =	shalt  }
0x66: {  	_ =	shalt  }
0x67: {  	_ =	shalt  }
0x68: {  	_ =	shalt  }
0x69: {  	_ =	shalt  }
0x6a: {  	_ =	shalt  }
0x6b: {  	_ =	shalt  }
0x6c: {  	_ =	shalt  }
0x6d: {  	_ =	shalt  }
0x6e: {  	_ =	shalt  }
0x6f: {  	_ =	shalt  }
0x70: {  	_ =	shalt  }
0x71: {  	_ =	shalt  }
0x72: {  	_ =	shalt  }
0x73: {  	_ =	shalt  }
0x74: {  	_ =	shalt  }
0x75: {  	_ =	shalt  }
0x76: {  	_ =	shalt  }
0x77: {  	_ =	shalt  }
0x78: {  	_ =	shalt  }
0x79: {  	_ =	shalt  }
0x7a: {  	_ =	shalt  }
0x7b: {  	_ =	shalt  }
0x7c: {  	_ =	shalt  }
0x7d: {  	_ =	shalt  }
0x7e: {  	_ =	shalt  }
0x7f: {  	_ =	shalt  }
0x80: {  	_ =	shalt  }
0x81: {  	_ =	shalt  }
0x82: {  	_ =	shalt  }
0x83: {  	_ =	shalt  }
0x84: {  	_ =	shalt  }
0x85: {  	_ =	shalt  }
0x86: {  	_ =	shalt  }
0x87: {  	_ =	shalt  }
.Lfunc_end0:
.L_simem_size_0:
called_computation_lowered:
.L_overlay_start_0:
0x88: {  	s2 =	sld [smem:$0x3FD9]  }
0x89: {  	s3 =	sld [smem:$0x3FFE];
	_ =	sdelay $0x1  }
0x8a: {  	s1 =	srdreg.scid  }
0x8b: {  	s0 =	sand.u32 $0x1, s1  }
0x8c: {  	s17 =	sshll.u32 s0, $0xA;
	s2 =	sadd.s32 s3, s2  }
0x8d: {  	s2 =	sadd.s32 s2, s17  }
0x8e: {  	[smem:$0x3FBC] =	sst s2  }
0x8f: {  	_ = 	snop  }
0x90: {  	s2 =	sld [smem:$0x3FD0];
	(tm) =	ssettm $0x1  }
0x91: {  	s18 =	sld [smem:$0x3FFB];
	_ =	sdelay $0x3  }
0x92: {  	_ =	strace s18  }
0x93: {  	s3 =	sld [smem:$0x3FFC];
	_ =	sdelay $0x3  }
0x94: {  	_ =	strace s3  }
0x95: {  	s3 =	sld [smem:$0x3FFD];
	_ =	sdelay $0x3  }
0x96: {  	_ =	strace s3  }
0x97: {  	_ =	strace $0x8FFFFFFF  }
0x98: {  	s19 =	sld [smem:$0x3FDB];
	_ =	sdelay $0x1  }
0x99: {  	s4 =	simm.s32 $_scs_section_size  }
0x9a: {  	s5 =	simm.s32 $_size__tile_overlayer_lowered;
	s6 =	simm.s32 $_tile_overlayer_lowered  }
0x9b: {  	s22 =	simm.s32 $0x1BFF;
	s21 =	sshll.u32 s6, $0x1;
	s3 =	sadd.s32 s4, s19  }
0x9c: {  	s7 =	simm.s32 $0x0;
	s20 =	sshll.u32 s5, $0x1;
	s5 =	sadd.s32 s21, s3  }
0x9d: {  	[timem:s7], [sflag:s22] =	dma.local [hbm:s5], s20  }
0x9e: {  	_ =	swait.ge [sflag:s22], s20  }
0x9f: {  	s4 =	ssub.s32 $0x0, s20;
	[sflag:s22] =	ssyncset.done $0x0  }
0xa0: {  	[sflag:s22] =	ssyncadd.s32 s4;
	_ =	sdelay $0x1  }
0xa1: {  	s23 =	simm.s32 $0x1B8B  }
0xa2: {  	_ =	swait.ge [sflag:s23], $0x1  }
0xa3: {  	[sflag:s23] =	ssyncset.done $0x0  }
0xa4: {  	s25 =	simm.s32 $0x1B8E;
	s24 =	sld [smem:$0x3FFE];
	[sflag:s23] =	ssyncadd.s32 $0xFFFFFFFF  }
0xa5: {  	s26 =	simm.s32 $execute0_lowered;
	[smem:$0x3FD2] =	sst s25  }
0xa6: {  	s5 =	sshll.u32 s26, $0x1;
	_ =	strace $0x80000046;
	[dreg:$0x1] =	wrdreg $0xFFFFFFFF  }
0xa7: {  	s28 =	simm.s32 $_size_execute0_lowered;
	s3 =	sadd.s32 s3, s5;
	[dreg:$0x0] =	wrdreg $0x0  }
0xa8: {  	s5 =	sshll.u32 s28, $0x1;
	[dreg:$0x2] =	wrdreg s3  }
0xa9: {  	[dreg:$0x3] =	wrdreg s5  }
0xaa: {  	[dreg:$0x4] =	wrdreg $0xC0  }
0xab: {  	_ =	task [dreg:s7], $0x5FFFF  }
0xac: {  	[dreg:$0x1] =	wrdreg $0xFFFFFFFF  }
0xad: {  	[dreg:$0x0] =	wrdreg $0x60  }
0xae: {  	[dreg:$0x2] =	wrdreg s2  }
0xaf: {  	[dreg:$0x3] =	wrdreg s24  }
0xb0: {  	[dreg:$0x4] =	wrdreg $0x0  }
0xb1: {  	[dreg:$0x5] =	wrdreg $0x9  }
0xb2: {  	_ =	task.clear_ibuf [dreg:s7], $0x6FFFF;
	_ =	strace $0x90000046  }
0xb3: {  	s29 =	simm.s32 $0x9;
	_ =	strace $0x80000048  }
0xb4: {  	_ =	swait.ge [sflag:s29], $0x1  }
0xb5: {  	[sflag:s29] =	ssyncadd.s32 $0xFFFFFFFF  }
0xb6: {  	_ =	strace $0x90000048  }
0xb7: {  	_ =	sfence  }
0xb8: {  	s30 =	sld [smem:$0x0];
	_ =	sdelay $0x2  }
0xb9: {  	s31 =	sshll.u32 s1, $0xD;
	s1 =	sshrl.u32 s1, $0x2  }
0xba: {  	s3 =	sand.u32 $0x4000, s31;
	s1 =	sadd.s32 s1, s30  }
0xbb: {  	s0 =	sor.u32 s3, s0;
	s1 =	sshll.u32 s1, $0x11  }
0xbc: {  	s0 =	sor.u32 s1, s0  }
0xbd: {  	s0 =	sadd.s32 $0x8F2B, s0  }
0xbe: {  	[sflag:s0] =	ssyncadd.remote.s32 $0x1  }
0xbf: {  	_ =	sfence.sel $0xFFFF  }
0xc0: {  	[dreg:$0x0] =	wrdreg $0xFFFFFFFF;
	(pc) =	sbr.abs _section_cstart, $3  }
0xc1: {  	[dreg:$0x1] =	wrdreg $0xFFFFFFFF  }
0xc2: {  	_ =	task.clear_ibuf [dreg:s7], $0x2FFFF;
	_ =	strace $0x9FFFFFFF  }
0xc3: {  	(tm) =	ssettm $0x7FFFFFFF  }
tec
execute0_lowered:
.L_overlay_start_1:
0x0: {  	(tag) =	ssettag $0x1  }
0x1: {  	s2 =	rddreg [dreg:$0x0]  }
0x2: {  	s5 =	rddreg [dreg:$0x1]  }
0x3: {  	s3 =	rddreg [dreg:$0x2]  }
0x4: {  	s0 =	rddreg [dreg:$0x3];
	s1 =	stileid.u32  }
0x5: {  	s6 =	srdreg.scid;
	s4 =	simm.s32 $0x0;
	s13 =	simm.s32 $0x14000  }
0x6: {  	s14 =	simm.s32 $0x28;
	s15 =	simm.s32 $0x0;
	s7 =	smul.u32 $0x14000, s1  }
0x7: {  	s6 =	sand.u32 $0x1, s6;
	[smem:$0x7FF] =	sst s4;
	s10 =	smul.u32 $0x50000, s1  }
0x8: {  	s9 =	sshll.u32 s1, $0xB;
	s29 =	sshll.u32 s1, $0x6;
	s8 =	smul.u32 $0x140000, s6  }
0x9: {  	_ =	strace $0x80000047;
	s9 =	sadd.s32 s9, s5;
	s11 =	ssub.s32 $0x2, s6  }
0xa: {  	s30 =	sshll.u32 s6, $0xF;
	s6 =	sor.u32 $0x1C01, s29;
	s12 =	sshrl.u32 s11, $0x1  }
0xb: {  	s10 =	sshrl.u32 s10, $0x2;
	s28 =	sshrl.u32 s7, $0x3;
	s31 =	sadd.s32 s30, s9  }
0xc: {  	s8 =	sadd.s32 s7, s8;
	s11 =	ssub.s32 s11, s12;
	s10 =	sadd.s32 s10, s3  }
0xd: {  	s7 =	sadd.s32 $0x3A00, s31;
	s12 =	simm.s32 $0x18000;
	s8 =	sshrl.u32 s8, $0x3  }
0xe: {  	s9 =	smax.u32 s11, $0x1;
	s10 =	sshrl.u32 s10, $0x3;
	s8 =	sadd.s32 s8, s5  }
0xf: {  	s11 =	simm.s32 $0x1;
	s5 =	sadd.s32 s2, s28;
	s8 =	sadd.s32 $0x13A00, s8  }
.LBB2_1:
0x10: {  	[spmem:s10], [sflag:s6] =	dma.local [hbm:s5], $0x2800  }
0x11: {  	_ =	swait.ge [sflag:s11], $0x2800  }
0x12: {  	[sflag:s11] =	ssyncset.done $0x0  }
0x13: {  	[sflag:s11] =	ssyncadd.s32 $0xFFFFD800  }
0x14: {  	[tilespmem:s12], [sflag:$0x1] =	stream.linear.gather [hbm4b:s2+s4], $0x1400, $0x38;
	[tilespmem:$0x19400] =	vst v63  }
0x15: {  	_ =	swait.ge [sflag:s11], $0x1400  }
0x16: {  	[sflag:s11] =	ssyncset.done $0x0  }
0x17: {  	[sflag:s11] =	ssyncadd.s32 $0xFFFFEC00  }
0x18: {  	[tilespmem:s13], [sflag:$0x1] =	stream.linear.gather [hbm4b:s7+s4], $0x3E80, $0x38;
	[tilespmem:$0x19400] =	vst v63  }
0x19: {  	_ =	swait.ge [sflag:s11], $0x3E80  }
0x1a: {  	[sflag:s11] =	ssyncset.done $0x0  }
0x1b: {  	[sflag:s11] =	ssyncadd.s32 $0xFFFFC180  }
0x1c: {  	s16 =	simm.s32 $0x14000;
	[bflag:$0x0] =	sbarrier.arrive $0xFFFF  }
0x1d: {  	[spmem:s3] =	stream.indirect.scatter.add.f32 [tilespmem:s12], [sflag:$0x1], $0x80, s16, s14, $0xb8;
	[tilespmem:$0x19400] =	vst v63  }
0x1e: {  	s16 =	simm.s32 $0x200;
	_ =	swait.ge [sflag:s11], $0x1400  }
.LBB2_2:
0x1f: {  	s17 =	sshra.s32 s16, $0x2;
	[sflag:s11] =	ssyncset.done $0x0;
	p0 =	sne.s32 s16, $0xF800  }
.Ltmp0:
0x20: {  	s17 =	sadd.s32 $0x14000, s17;
	[sflag:s11] =	ssyncadd.s32 $0xFFFFEC00;
	(pc) =	sbr.rel @p0 .LBB2_2-.Ltmp0, $3  }
0x21: {  	[spmem:s3] =	stream.indirect.scatter.add.f32 [tilespmem:s12], [sflag:$0x1], $0x80, s17, s14, $0xb8;
	[tilespmem:$0x19400] =	vst v63  }
0x22: {  	s16 =	sadd.s32 $0x200, s16;
	_ =	sdelay $0x1  }
0x23: {  	_ =	swait.ge [sflag:s11], $0x1400  }
0x24: {  	[sflag:s11] =	ssyncset.done $0x0;
	s15 =	sadd.s32 $0x1, s15  }
0x25: {  	[sflag:s11] =	ssyncadd.s32 $0xFFFFEC00;
	p0 =	sne.s32 s15, s9  }
.Ltmp1:
0x26: {  	[bflag:$0x0] =	sbarrier.arrive $0xFFFF;
	(pc) =	sbr.rel @p0 .LBB2_1-.Ltmp1, $4  }
0x27: {  	[hbm:s8], [sflag:s6] =	dma.local [spmem:s10], $0x2800  }
0x28: {  	_ =	swait.ge [sflag:s11], $0x2800  }
0x29: {  	[sflag:s11] =	ssyncset.done $0x0  }
0x2a: {  	[sflag:s11] =	ssyncadd.s32 $0xFFFFD800  }
0x2b: {  	_ =	sfence.sel $0x180000  }
0x2c: {  	[bflag:$0x0] =	sbarrier.arrive $0xFFFF  }
0x2d: {  	p0 =	sne.s32 s1, $0x0;
	_ =	strace $0x90000047  }
0x2e: {  	s0 =	sadd.s32 @!p0 $0x100000, s0;
	[bflag:$0x2] =	sbarrier.arrive $0xFFFF  }
0x2f: {  	[sflag:s0] =	ssyncadd.tile.s32 @!p0 $0x1;
	_ =	shalt  }
.Lfunc_end2:
_tile_overlayer_lowered:
.L_overlay_start_2:
0x30: {  	(tag) =	ssettag $0x2  }
0x31: {  	s0 =	rddreg [dreg:$0x0];
	s2 =	stileid.u32  }
0x32: {  	s1 =	rddreg [dreg:$0x1];
	p0 =	sne.s32 s2, $0x0  }
0x33: {  	s3 =	rddreg [dreg:$0x2];
	[bflag:$0x3] =	sbarrier.arrive $0xFFFF;
	s2 =	simm.s32 @!p0 $0x1C01  }
0x34: {  	[timem:s3], [sflag:s2] =	dma.local @!p0 [hbm:s0], s1  }
0x35: {  	s0 =	simm.s32 @!p0 $0x1  }
0x36: {  	_ =	swait.ge @!p0 [sflag:s0], s1  }
0x37: {  	s1 =	ssub.s32 @!p0 $0x0, s1;
	[sflag:s0] =	ssyncset.done @!p0 $0x0  }
0x38: {  	[sflag:s0] =	ssyncadd.s32 @!p0 s1  }
0x39: {  	[bflag:$0x3] =	sbarrier.arrive $0xFFFF  }
0x3a: {  	_ =	shalt  }

</sc_bundles>
